<compile_context>
chip_gen: v7x
topology: tpu7x:2x2x1
jax: 0.10.2.dev20260603
libtpu: 0.0.44.dev20260713+nightly
codegen_flags: <defaults>
</compile_context>

<pallas_src>
import functools

import jax
import jax.numpy as jnp
from jax import lax
from jax.experimental import pallas as pl
from jax.experimental.pallas import tpu as pltpu
from jax.experimental.pallas import tpu_sc as plsc


def _tr_kernel(bank_ref, outbank_ref):
    outbank_ref[...] = bank_ref[...].T


def _make_sc_copy(size, dim, batch):
    info = plsc.get_sparse_core_info()
    nw = info.num_cores * info.num_subcores
    rows = size // nw
    crows = 256
    nchunks = rows // crows
    mesh = plsc.VectorSubcoreMesh(core_axis_name="c", subcore_axis_name="s")

    @functools.partial(
        pl.kernel,
        mesh=mesh,
        out_type=jax.ShapeDtypeStruct((size, dim), jnp.float32),
        scratch_types=[
            pltpu.VMEM((16,), jnp.int32),
            pltpu.VMEM((crows, dim), jnp.float32),
            pltpu.VMEM((crows, dim), jnp.float32),
            pltpu.SemaphoreType.DMA,
            pltpu.SemaphoreType.DMA,
            pltpu.SemaphoreType.DMA,
            pltpu.SemaphoreType.DMA,
        ],
    )
    def sc_copy(u_hbm, out_hbm, bank_hbm, new_hbm, u_v,
                buf0, buf1, si0, si1, so0, so1):
        wid = lax.axis_index("s") * info.num_cores + lax.axis_index("c")
        base = wid * rows
        pltpu.sync_copy(u_hbm, u_v)
        upd = u_v[...][0]
        bufs = (buf0, buf1)
        sin = (si0, si1)
        sout = (so0, so1)

        def staged_copy(src):
            in_cp = [None, None]
            out_cp = [None, None]
            for c in range(nchunks + 1):
                b = c % 2
                if c < nchunks:
                    if c >= 2:
                        out_cp[b].wait()
                    in_cp[b] = pltpu.async_copy(
                        src.at[pl.ds(base + c * crows, crows)], bufs[b], sin[b])
                if c >= 1:
                    pb = (c - 1) % 2
                    in_cp[pb].wait()
                    out_cp[pb] = pltpu.async_copy(
                        bufs[pb], new_hbm.at[pl.ds(base + (c - 1) * crows, crows)],
                        sout[pb])
            out_cp[(nchunks - 1) % 2].wait()
            if nchunks >= 2:
                out_cp[nchunks % 2].wait()

        lax.cond((upd != 0) & (base < batch),
                 lambda: staged_copy(out_hbm),
                 lambda: staged_copy(bank_hbm))

    return sc_copy


def kernel(output, bank, update):
    size, dim = bank.shape
    batch = output.shape[0]
    u16 = jnp.full((16,), jnp.asarray(update, jnp.int32))
    new_bank = _make_sc_copy(size, dim, batch)(u16, output, bank)
    r = 2048
    out_bank = pl.pallas_call(
        _tr_kernel,
        grid=(size // r,),
        in_specs=[pl.BlockSpec((r, dim), lambda i: (i, 0))],
        out_specs=pl.BlockSpec((dim, r), lambda i: (0, i)),
        out_shape=jax.ShapeDtypeStruct((dim, size), bank.dtype),
    )(bank)
    return (output, out_bank, new_bank)

# --- scband reference (transcript-rebuilt; emitter-appended) ---
"""Pipeline reference for scband-memory-bank-module-90718299226142 (READ-ONLY COPY).

The authoritative reference and input builder live on the scoring server;
editing this copy changes nothing except your own understanding.
"""

import jax, jax.numpy as jnp
import numpy as np

SIZE = 65536
DIM = 128
BATCH = 4096


def setup_inputs(seed: int = 0) -> dict:
    key = jax.random.key(seed)
    k1, k2 = jax.random.split(key)
    output = jax.random.normal(k1, (BATCH, DIM), dtype=jnp.float32)
    # Buffer state: bank initialized as in _init_memory_bank (randn, L2-normalized)
    bank = jax.random.normal(k2, (SIZE, DIM), dtype=jnp.float32)
    bank = bank / jnp.linalg.norm(bank, axis=-1, keepdims=True)
    return {"output": output, "bank": bank, "update": True}


def reference(output, bank, update=True):
    # forward: snapshot the bank (clone().detach()), transpose because
    # feature_dim_first=True (lightly default), then dequeue-and-enqueue.
    bank_snapshot = jax.lax.stop_gradient(bank)
    out_bank = jnp.transpose(bank_snapshot, (1, 0))  # (dim, num_features)
    bsz = output.shape[0]
    # _dequeue_and_enqueue with ptr=0: scatter-overwrite rows [0, bsz)
    updated_bank = bank_snapshot.at[0:bsz].set(jax.lax.stop_gradient(output))
    new_bank = jnp.where(update, updated_bank, bank_snapshot)
    # return forward outputs plus the updated buffer state (mutated in torch)
    return (output, out_bank, new_bank)

if __name__ == "__main__":
    import jax
    _d = setup_inputs()
    print(jax.jit(kernel)(*tuple(_d.values())))

</pallas_src>

<mosaic_0001>
#map = affine_map<(d0, d1) -> (0)>
#map1 = affine_map<(d0, d1) -> (0, 0)>
module attributes {stable_mosaic.version = 14 : i64} {
  func.func @sc_copy(%arg0: i32, %arg1: i32, %arg2: memref<16xi32, #tpu.memory_space<hbm>>, %arg3: memref<4096x128xf32, #tpu.memory_space<hbm>>, %arg4: memref<65536x128xf32, #tpu.memory_space<hbm>>, %arg5: memref<65536x128xf32, #tpu.memory_space<hbm>>, %arg6: memref<16xi32, #tpu.memory_space<vmem>>, %arg7: memref<256x128xf32, #tpu.memory_space<vmem>>, %arg8: memref<256x128xf32, #tpu.memory_space<vmem>>, %arg9: memref<!tpu.dma_semaphore, #tpu.memory_space<semaphore_mem>>, %arg10: memref<!tpu.dma_semaphore, #tpu.memory_space<semaphore_mem>>, %arg11: memref<!tpu.dma_semaphore, #tpu.memory_space<semaphore_mem>>, %arg12: memref<!tpu.dma_semaphore, #tpu.memory_space<semaphore_mem>>) attributes {dimension_semantics = [#tpu.dimension_semantics<core_parallel>, #tpu.dimension_semantics<subcore_parallel>], iteration_bounds = array<i64: 2, 16>, scalar_prefetch = 0 : i64, scratch_operands = 7 : i64, tpu.core_type = #tpu.core_type<sc_vector_subcore>, window_params = [{transform_indices = #map}, {transform_indices = #map1}, {transform_indices = #map1}, {transform_indices = #map1}]} {
    %mul3A = arith.constant 2 : i32
    %mul3A_0 = arith.muli %arg1, %mul3A : i32
    %add3A = arith.addi %mul3A_0, %arg0 : i32
    %mul3A_1 = arith.constant 2048 : i32
    %mul3A_2 = arith.muli %add3A, %mul3A_1 : i32
    "tpu.region"() ({
      %run_scoped3A = tpu.sem_alloc : memref<!tpu.dma_semaphore, #tpu.memory_space<semaphore_mem>>
      tpu.enqueue_dma source(%arg2 : memref<16xi32, #tpu.memory_space<hbm>>) target(%arg6 : memref<16xi32, #tpu.memory_space<vmem>>) target_semaphore(%run_scoped3A : memref<!tpu.dma_semaphore, #tpu.memory_space<semaphore_mem>>)
      tpu.wait_dma2 semaphore(%run_scoped3A : memref<!tpu.dma_semaphore, #tpu.memory_space<semaphore_mem>>) src(%arg2 : memref<16xi32, #tpu.memory_space<hbm>>) dst(%arg6 : memref<16xi32, #tpu.memory_space<vmem>>)
      tpu.yield
    }) : () -> ()
    %get3A = arith.constant 0 : index
    %get3A_3 = tpu.vector_load %arg6[%get3A] {strides = array<i32>} : memref<16xi32, #tpu.memory_space<vmem>>, vector<16xi32>,
    %get3A_4 = vector.shape_cast %get3A_3 : vector<16xi32> to vector<16xi32>
    %slice3A = vector.extract_strided_slice %get3A_4 {offsets = [0], sizes = [1], strides = [1]} : vector<16xi32> to vector<1xi32>
    %squeeze3A = vector.extract %slice3A[0] : i32 from vector<1xi32>
    %ne3A = arith.constant 0 : i32
    %ne3A_5 = arith.cmpi ne, %squeeze3A, %ne3A : i32
    %lt3A = arith.constant 4096 : i32
    %lt3A_6 = arith.cmpi slt, %mul3A_2, %lt3A : i32
    %and3A = arith.andi %ne3A_5, %lt3A_6 : i1
    %convert_element_type3A = arith.extui %and3A : i1 to i32
    %cond3A = arith.constant 0 : i32
    %cond3A_7 = arith.cmpi ne, %convert_element_type3A, %cond3A : i32
    scf.if %cond3A_7 {
      %add3A_8 = arith.constant 0 : i32
      %add3A_9 = arith.addi %mul3A_2, %add3A_8 : i32
      %dma_start3A = arith.constant 0 : i32
      %dma_start3A_10 = tpu.memref_slice %arg3[%add3A_9, %dma_start3A] : memref<4096x128xf32, #tpu.memory_space<hbm>> -> memref<256x128xf32, #tpu.memory_space<hbm>>
      %dma_start3A_11 = arith.constant 0 : i32
      %dma_start3A_12 = tpu.memref_slice %arg3[%add3A_9, %dma_start3A_11] : memref<4096x128xf32, #tpu.memory_space<hbm>> -> memref<256x128xf32, #tpu.memory_space<hbm>>
      tpu.enqueue_dma source(%dma_start3A_12 : memref<256x128xf32, #tpu.memory_space<hbm>>) target(%arg7 : memref<256x128xf32, #tpu.memory_space<vmem>>) target_semaphore(%arg9 : memref<!tpu.dma_semaphore, #tpu.memory_space<semaphore_mem>>)
      %add3A_13 = arith.constant 256 : i32
      %add3A_14 = arith.addi %mul3A_2, %add3A_13 : i32
      %dma_start3A_15 = arith.constant 0 : i32
      %dma_start3A_16 = tpu.memref_slice %arg3[%add3A_14, %dma_start3A_15] : memref<4096x128xf32, #tpu.memory_space<hbm>> -> memref<256x128xf32, #tpu.memory_space<hbm>>
      %dma_start3A_17 = arith.constant 0 : i32
      %dma_start3A_18 = tpu.memref_slice %arg3[%add3A_14, %dma_start3A_17] : memref<4096x128xf32, #tpu.memory_space<hbm>> -> memref<256x128xf32, #tpu.memory_space<hbm>>
      tpu.enqueue_dma source(%dma_start3A_18 : memref<256x128xf32, #tpu.memory_space<hbm>>) target(%arg8 : memref<256x128xf32, #tpu.memory_space<vmem>>) target_semaphore(%arg10 : memref<!tpu.dma_semaphore, #tpu.memory_space<semaphore_mem>>)
      %dma_wait3A = arith.constant 0 : i32
      %dma_wait3A_19 = tpu.memref_slice %arg3[%add3A_9, %dma_wait3A] : memref<4096x128xf32, #tpu.memory_space<hbm>> -> memref<256x128xf32, #tpu.memory_space<hbm>>
      %dma_wait3A_20 = arith.constant 0 : i32
      %dma_wait3A_21 = tpu.memref_slice %arg3[%add3A_9, %dma_wait3A_20] : memref<4096x128xf32, #tpu.memory_space<hbm>> -> memref<256x128xf32, #tpu.memory_space<hbm>>
      tpu.wait_dma2 semaphore(%arg9 : memref<!tpu.dma_semaphore, #tpu.memory_space<semaphore_mem>>) src(%dma_wait3A_21 : memref<256x128xf32, #tpu.memory_space<hbm>>) dst(%arg7 : memref<256x128xf32, #tpu.memory_space<vmem>>)
      %add3A_22 = arith.constant 0 : i32
      %add3A_23 = arith.addi %mul3A_2, %add3A_22 : i32
      %dma_start3A_24 = arith.constant 0 : i32
      %dma_start3A_25 = tpu.memref_slice %arg5[%add3A_23, %dma_start3A_24] : memref<65536x128xf32, #tpu.memory_space<hbm>> -> memref<256x128xf32, #tpu.memory_space<hbm>>
      %dma_start3A_26 = arith.constant 0 : i32
      %dma_start3A_27 = tpu.memref_slice %arg5[%add3A_23, %dma_start3A_26] : memref<65536x128xf32, #tpu.memory_space<hbm>> -> memref<256x128xf32, #tpu.memory_space<hbm>>
      tpu.enqueue_dma source(%arg7 : memref<256x128xf32, #tpu.memory_space<vmem>>) target(%dma_start3A_27 : memref<256x128xf32, #tpu.memory_space<hbm>>) target_semaphore(%arg11 : memref<!tpu.dma_semaphore, #tpu.memory_space<semaphore_mem>>)
      %dma_wait3A_28 = arith.constant 0 : i32
      %dma_wait3A_29 = tpu.memref_slice %arg5[%add3A_23, %dma_wait3A_28] : memref<65536x128xf32, #tpu.memory_space<hbm>> -> memref<256x128xf32, #tpu.memory_space<hbm>>
      %dma_wait3A_30 = arith.constant 0 : i32
      %dma_wait3A_31 = tpu.memref_slice %arg5[%add3A_23, %dma_wait3A_30] : memref<65536x128xf32, #tpu.memory_space<hbm>> -> memref<256x128xf32, #tpu.memory_space<hbm>>
      tpu.wait_dma2 semaphore(%arg11 : memref<!tpu.dma_semaphore, #tpu.memory_space<semaphore_mem>>) src(%arg7 : memref<256x128xf32, #tpu.memory_space<vmem>>) dst(%dma_wait3A_31 : memref<256x128xf32, #tpu.memory_space<hbm>>)
      %add3A_32 = arith.constant 512 : i32
      %add3A_33 = arith.addi %mul3A_2, %add3A_32 : i32
      %dma_start3A_34 = arith.constant 0 : i32
      %dma_start3A_35 = tpu.memref_slice %arg3[%add3A_33, %dma_start3A_34] : memref<4096x128xf32, #tpu.memory_space<hbm>> -> memref<256x128xf32, #tpu.memory_space<hbm>>
      %dma_start3A_36 = arith.constant 0 : i32
      %dma_start3A_37 = tpu.memref_slice %arg3[%add3A_33, %dma_start3A_36] : memref<4096x128xf32, #tpu.memory_space<hbm>> -> memref<256x128xf32, #tpu.memory_space<hbm>>
      tpu.enqueue_dma source(%dma_start3A_37 : memref<256x128xf32, #tpu.memory_space<hbm>>) target(%arg7 : memref<256x128xf32, #tpu.memory_space<vmem>>) target_semaphore(%arg9 : memref<!tpu.dma_semaphore, #tpu.memory_space<semaphore_mem>>)
      %dma_wait3A_38 = arith.constant 0 : i32
      %dma_wait3A_39 = tpu.memref_slice %arg3[%add3A_14, %dma_wait3A_38] : memref<4096x128xf32, #tpu.memory_space<hbm>> -> memref<256x128xf32, #tpu.memory_space<hbm>>
      %dma_wait3A_40 = arith.constant 0 : i32
      %dma_wait3A_41 = tpu.memref_slice %arg3[%add3A_14, %dma_wait3A_40] : memref<4096x128xf32, #tpu.memory_space<hbm>> -> memref<256x128xf32, #tpu.memory_space<hbm>>
      tpu.wait_dma2 semaphore(%arg10 : memref<!tpu.dma_semaphore, #tpu.memory_space<semaphore_mem>>) src(%dma_wait3A_41 : memref<256x128xf32, #tpu.memory_space<hbm>>) dst(%arg8 : memref<256x128xf32, #tpu.memory_space<vmem>>)
      %add3A_42 = arith.constant 256 : i32
      %add3A_43 = arith.addi %mul3A_2, %add3A_42 : i32
      %dma_start3A_44 = arith.constant 0 : i32
      %dma_start3A_45 = tpu.memref_slice %arg5[%add3A_43, %dma_start3A_44] : memref<65536x128xf32, #tpu.memory_space<hbm>> -> memref<256x128xf32, #tpu.memory_space<hbm>>
      %dma_start3A_46 = arith.constant 0 : i32
      %dma_start3A_47 = tpu.memref_slice %arg5[%add3A_43, %dma_start3A_46] : memref<65536x128xf32, #tpu.memory_space<hbm>> -> memref<256x128xf32, #tpu.memory_space<hbm>>
      tpu.enqueue_dma source(%arg8 : memref<256x128xf32, #tpu.memory_space<vmem>>) target(%dma_start3A_47 : memref<256x128xf32, #tpu.memory_space<hbm>>) target_semaphore(%arg12 : memref<!tpu.dma_semaphore, #tpu.memory_space<semaphore_mem>>)
      %dma_wait3A_48 = arith.constant 0 : i32
      %dma_wait3A_49 = tpu.memref_slice %arg5[%add3A_43, %dma_wait3A_48] : memref<65536x128xf32, #tpu.memory_space<hbm>> -> memref<256x128xf32, #tpu.memory_space<hbm>>
      %dma_wait3A_50 = arith.constant 0 : i32
      %dma_wait3A_51 = tpu.memref_slice %arg5[%add3A_43, %dma_wait3A_50] : memref<65536x128xf32, #tpu.memory_space<hbm>> -> memref<256x128xf32, #tpu.memory_space<hbm>>
      tpu.wait_dma2 semaphore(%arg12 : memref<!tpu.dma_semaphore, #tpu.memory_space<semaphore_mem>>) src(%arg8 : memref<256x128xf32, #tpu.memory_space<vmem>>) dst(%dma_wait3A_51 : memref<256x128xf32, #tpu.memory_space<hbm>>)
      %add3A_52 = arith.constant 768 : i32
      %add3A_53 = arith.addi %mul3A_2, %add3A_52 : i32
      %dma_start3A_54 = arith.constant 0 : i32
      %dma_start3A_55 = tpu.memref_slice %arg3[%add3A_53, %dma_start3A_54] : memref<4096x128xf32, #tpu.memory_space<hbm>> -> memref<256x128xf32, #tpu.memory_space<hbm>>
      %dma_start3A_56 = arith.constant 0 : i32
      %dma_start3A_57 = tpu.memref_slice %arg3[%add3A_53, %dma_start3A_56] : memref<4096x128xf32, #tpu.memory_space<hbm>> -> memref<256x128xf32, #tpu.memory_space<hbm>>
      tpu.enqueue_dma source(%dma_start3A_57 : memref<256x128xf32, #tpu.memory_space<hbm>>) target(%arg8 : memref<256x128xf32, #tpu.memory_space<vmem>>) target_semaphore(%arg10 : memref<!tpu.dma_semaphore, #tpu.memory_space<semaphore_mem>>)
      %dma_wait3A_58 = arith.constant 0 : i32
      %dma_wait3A_59 = tpu.memref_slice %arg3[%add3A_33, %dma_wait3A_58] : memref<4096x128xf32, #tpu.memory_space<hbm>> -> memref<256x128xf32, #tpu.memory_space<hbm>>
      %dma_wait3A_60 = arith.constant 0 : i32
      %dma_wait3A_61 = tpu.memref_slice %arg3[%add3A_33, %dma_wait3A_60] : memref<4096x128xf32, #tpu.memory_space<hbm>> -> memref<256x128xf32, #tpu.memory_space<hbm>>
      tpu.wait_dma2 semaphore(%arg9 : memref<!tpu.dma_semaphore, #tpu.memory_space<semaphore_mem>>) src(%dma_wait3A_61 : memref<256x128xf32, #tpu.memory_space<hbm>>) dst(%arg7 : memref<256x128xf32, #tpu.memory_space<vmem>>)
      %add3A_62 = arith.constant 512 : i32
      %add3A_63 = arith.addi %mul3A_2, %add3A_62 : i32
      %dma_start3A_64 = arith.constant 0 : i32
      %dma_start3A_65 = tpu.memref_slice %arg5[%add3A_63, %dma_start3A_64] : memref<65536x128xf32, #tpu.memory_space<hbm>> -> memref<256x128xf32, #tpu.memory_space<hbm>>
      %dma_start3A_66 = arith.constant 0 : i32
      %dma_start3A_67 = tpu.memref_slice %arg5[%add3A_63, %dma_start3A_66] : memref<65536x128xf32, #tpu.memory_space<hbm>> -> memref<256x128xf32, #tpu.memory_space<hbm>>
      tpu.enqueue_dma source(%arg7 : memref<256x128xf32, #tpu.memory_space<vmem>>) target(%dma_start3A_67 : memref<256x128xf32, #tpu.memory_space<hbm>>) target_semaphore(%arg11 : memref<!tpu.dma_semaphore, #tpu.memory_space<semaphore_mem>>)
      %dma_wait3A_68 = arith.constant 0 : i32
      %dma_wait3A_69 = tpu.memref_slice %arg5[%add3A_63, %dma_wait3A_68] : memref<65536x128xf32, #tpu.memory_space<hbm>> -> memref<256x128xf32, #tpu.memory_space<hbm>>
      %dma_wait3A_70 = arith.constant 0 : i32
      %dma_wait3A_71 = tpu.memref_slice %arg5[%add3A_63, %dma_wait3A_70] : memref<65536x128xf32, #tpu.memory_space<hbm>> -> memref<256x128xf32, #tpu.memory_space<hbm>>
      tpu.wait_dma2 semaphore(%arg11 : memref<!tpu.dma_semaphore, #tpu.memory_space<semaphore_mem>>) src(%arg7 : memref<256x128xf32, #tpu.memory_space<vmem>>) dst(%dma_wait3A_71 : memref<256x128xf32, #tpu.memory_space<hbm>>)
      %add3A_72 = arith.constant 1024 : i32
      %add3A_73 = arith.addi %mul3A_2, %add3A_72 : i32
      %dma_start3A_74 = arith.constant 0 : i32
      %dma_start3A_75 = tpu.memref_slice %arg3[%add3A_73, %dma_start3A_74] : memref<4096x128xf32, #tpu.memory_space<hbm>> -> memref<256x128xf32, #tpu.memory_space<hbm>>
      %dma_start3A_76 = arith.constant 0 : i32
      %dma_start3A_77 = tpu.memref_slice %arg3[%add3A_73, %dma_start3A_76] : memref<4096x128xf32, #tpu.memory_space<hbm>> -> memref<256x128xf32, #tpu.memory_space<hbm>>
      tpu.enqueue_dma source(%dma_start3A_77 : memref<256x128xf32, #tpu.memory_space<hbm>>) target(%arg7 : memref<256x128xf32, #tpu.memory_space<vmem>>) target_semaphore(%arg9 : memref<!tpu.dma_semaphore, #tpu.memory_space<semaphore_mem>>)
      %dma_wait3A_78 = arith.constant 0 : i32
      %dma_wait3A_79 = tpu.memref_slice %arg3[%add3A_53, %dma_wait3A_78] : memref<4096x128xf32, #tpu.memory_space<hbm>> -> memref<256x128xf32, #tpu.memory_space<hbm>>
      %dma_wait3A_80 = arith.constant 0 : i32
      %dma_wait3A_81 = tpu.memref_slice %arg3[%add3A_53, %dma_wait3A_80] : memref<4096x128xf32, #tpu.memory_space<hbm>> -> memref<256x128xf32, #tpu.memory_space<hbm>>
      tpu.wait_dma2 semaphore(%arg10 : memref<!tpu.dma_semaphore, #tpu.memory_space<semaphore_mem>>) src(%dma_wait3A_81 : memref<256x128xf32, #tpu.memory_space<hbm>>) dst(%arg8 : memref<256x128xf32, #tpu.memory_space<vmem>>)
      %add3A_82 = arith.constant 768 : i32
      %add3A_83 = arith.addi %mul3A_2, %add3A_82 : i32
      %dma_start3A_84 = arith.constant 0 : i32
      %dma_start3A_85 = tpu.memref_slice %arg5[%add3A_83, %dma_start3A_84] : memref<65536x128xf32, #tpu.memory_space<hbm>> -> memref<256x128xf32, #tpu.memory_space<hbm>>
      %dma_start3A_86 = arith.constant 0 : i32
      %dma_start3A_87 = tpu.memref_slice %arg5[%add3A_83, %dma_start3A_86] : memref<65536x128xf32, #tpu.memory_space<hbm>> -> memref<256x128xf32, #tpu.memory_space<hbm>>
      tpu.enqueue_dma source(%arg8 : memref<256x128xf32, #tpu.memory_space<vmem>>) target(%dma_start3A_87 : memref<256x128xf32, #tpu.memory_space<hbm>>) target_semaphore(%arg12 : memref<!tpu.dma_semaphore, #tpu.memory_space<semaphore_mem>>)
      %dma_wait3A_88 = arith.constant 0 : i32
      %dma_wait3A_89 = tpu.memref_slice %arg5[%add3A_83, %dma_wait3A_88] : memref<65536x128xf32, #tpu.memory_space<hbm>> -> memref<256x128xf32, #tpu.memory_space<hbm>>
      %dma_wait3A_90 = arith.constant 0 : i32
      %dma_wait3A_91 = tpu.memref_slice %arg5[%add3A_83, %dma_wait3A_90] : memref<65536x128xf32, #tpu.memory_space<hbm>> -> memref<256x128xf32, #tpu.memory_space<hbm>>
      tpu.wait_dma2 semaphore(%arg12 : memref<!tpu.dma_semaphore, #tpu.memory_space<semaphore_mem>>) src(%arg8 : memref<256x128xf32, #tpu.memory_space<vmem>>) dst(%dma_wait3A_91 : memref<256x128xf32, #tpu.memory_space<hbm>>)
      %add3A_92 = arith.constant 1280 : i32
      %add3A_93 = arith.addi %mul3A_2, %add3A_92 : i32
      %dma_start3A_94 = arith.constant 0 : i32
      %dma_start3A_95 = tpu.memref_slice %arg3[%add3A_93, %dma_start3A_94] : memref<4096x128xf32, #tpu.memory_space<hbm>> -> memref<256x128xf32, #tpu.memory_space<hbm>>
      %dma_start3A_96 = arith.constant 0 : i32
      %dma_start3A_97 = tpu.memref_slice %arg3[%add3A_93, %dma_start3A_96] : memref<4096x128xf32, #tpu.memory_space<hbm>> -> memref<256x128xf32, #tpu.memory_space<hbm>>
      tpu.enqueue_dma source(%dma_start3A_97 : memref<256x128xf32, #tpu.memory_space<hbm>>) target(%arg8 : memref<256x128xf32, #tpu.memory_space<vmem>>) target_semaphore(%arg10 : memref<!tpu.dma_semaphore, #tpu.memory_space<semaphore_mem>>)
      %dma_wait3A_98 = arith.constant 0 : i32
      %dma_wait3A_99 = tpu.memref_slice %arg3[%add3A_73, %dma_wait3A_98] : memref<4096x128xf32, #tpu.memory_space<hbm>> -> memref<256x128xf32, #tpu.memory_space<hbm>>
      %dma_wait3A_100 = arith.constant 0 : i32
      %dma_wait3A_101 = tpu.memref_slice %arg3[%add3A_73, %dma_wait3A_100] : memref<4096x128xf32, #tpu.memory_space<hbm>> -> memref<256x128xf32, #tpu.memory_space<hbm>>
      tpu.wait_dma2 semaphore(%arg9 : memref<!tpu.dma_semaphore, #tpu.memory_space<semaphore_mem>>) src(%dma_wait3A_101 : memref<256x128xf32, #tpu.memory_space<hbm>>) dst(%arg7 : memref<256x128xf32, #tpu.memory_space<vmem>>)
      %add3A_102 = arith.constant 1024 : i32
      %add3A_103 = arith.addi %mul3A_2, %add3A_102 : i32
      %dma_start3A_104 = arith.constant 0 : i32
      %dma_start3A_105 = tpu.memref_slice %arg5[%add3A_103, %dma_start3A_104] : memref<65536x128xf32, #tpu.memory_space<hbm>> -> memref<256x128xf32, #tpu.memory_space<hbm>>
      %dma_start3A_106 = arith.constant 0 : i32
      %dma_start3A_107 = tpu.memref_slice %arg5[%add3A_103, %dma_start3A_106] : memref<65536x128xf32, #tpu.memory_space<hbm>> -> memref<256x128xf32, #tpu.memory_space<hbm>>
      tpu.enqueue_dma source(%arg7 : memref<256x128xf32, #tpu.memory_space<vmem>>) target(%dma_start3A_107 : memref<256x128xf32, #tpu.memory_space<hbm>>) target_semaphore(%arg11 : memref<!tpu.dma_semaphore, #tpu.memory_space<semaphore_mem>>)
      %dma_wait3A_108 = arith.constant 0 : i32
      %dma_wait3A_109 = tpu.memref_slice %arg5[%add3A_103, %dma_wait3A_108] : memref<65536x128xf32, #tpu.memory_space<hbm>> -> memref<256x128xf32, #tpu.memory_space<hbm>>
      %dma_wait3A_110 = arith.constant 0 : i32
      %dma_wait3A_111 = tpu.memref_slice %arg5[%add3A_103, %dma_wait3A_110] : memref<65536x128xf32, #tpu.memory_space<hbm>> -> memref<256x128xf32, #tpu.memory_space<hbm>>
      tpu.wait_dma2 semaphore(%arg11 : memref<!tpu.dma_semaphore, #tpu.memory_space<semaphore_mem>>) src(%arg7 : memref<256x128xf32, #tpu.memory_space<vmem>>) dst(%dma_wait3A_111 : memref<256x128xf32, #tpu.memory_space<hbm>>)
      %add3A_112 = arith.constant 1536 : i32
      %add3A_113 = arith.addi %mul3A_2, %add3A_112 : i32
      %dma_start3A_114 = arith.constant 0 : i32
      %dma_start3A_115 = tpu.memref_slice %arg3[%add3A_113, %dma_start3A_114] : memref<4096x128xf32, #tpu.memory_space<hbm>> -> memref<256x128xf32, #tpu.memory_space<hbm>>
      %dma_start3A_116 = arith.constant 0 : i32
      %dma_start3A_117 = tpu.memref_slice %arg3[%add3A_113, %dma_start3A_116] : memref<4096x128xf32, #tpu.memory_space<hbm>> -> memref<256x128xf32, #tpu.memory_space<hbm>>
      tpu.enqueue_dma source(%dma_start3A_117 : memref<256x128xf32, #tpu.memory_space<hbm>>) target(%arg7 : memref<256x128xf32, #tpu.memory_space<vmem>>) target_semaphore(%arg9 : memref<!tpu.dma_semaphore, #tpu.memory_space<semaphore_mem>>)
      %dma_wait3A_118 = arith.constant 0 : i32
      %dma_wait3A_119 = tpu.memref_slice %arg3[%add3A_93, %dma_wait3A_118] : memref<4096x128xf32, #tpu.memory_space<hbm>> -> memref<256x128xf32, #tpu.memory_space<hbm>>
      %dma_wait3A_120 = arith.constant 0 : i32
      %dma_wait3A_121 = tpu.memref_slice %arg3[%add3A_93, %dma_wait3A_120] : memref<4096x128xf32, #tpu.memory_space<hbm>> -> memref<256x128xf32, #tpu.memory_space<hbm>>
      tpu.wait_dma2 semaphore(%arg10 : memref<!tpu.dma_semaphore, #tpu.memory_space<semaphore_mem>>) src(%dma_wait3A_121 : memref<256x128xf32, #tpu.memory_space<hbm>>) dst(%arg8 : memref<256x128xf32, #tpu.memory_space<vmem>>)
      %add3A_122 = arith.constant 1280 : i32
      %add3A_123 = arith.addi %mul3A_2, %add3A_122 : i32
      %dma_start3A_124 = arith.constant 0 : i32
      %dma_start3A_125 = tpu.memref_slice %arg5[%add3A_123, %dma_start3A_124] : memref<65536x128xf32, #tpu.memory_space<hbm>> -> memref<256x128xf32, #tpu.memory_space<hbm>>
      %dma_start3A_126 = arith.constant 0 : i32
      %dma_start3A_127 = tpu.memref_slice %arg5[%add3A_123, %dma_start3A_126] : memref<65536x128xf32, #tpu.memory_space<hbm>> -> memref<256x128xf32, #tpu.memory_space<hbm>>
      tpu.enqueue_dma source(%arg8 : memref<256x128xf32, #tpu.memory_space<vmem>>) target(%dma_start3A_127 : memref<256x128xf32, #tpu.memory_space<hbm>>) target_semaphore(%arg12 : memref<!tpu.dma_semaphore, #tpu.memory_space<semaphore_mem>>)
      %dma_wait3A_128 = arith.constant 0 : i32
      %dma_wait3A_129 = tpu.memref_slice %arg5[%add3A_123, %dma_wait3A_128] : memref<65536x128xf32, #tpu.memory_space<hbm>> -> memref<256x128xf32, #tpu.memory_space<hbm>>
      %dma_wait3A_130 = arith.constant 0 : i32
      %dma_wait3A_131 = tpu.memref_slice %arg5[%add3A_123, %dma_wait3A_130] : memref<65536x128xf32, #tpu.memory_space<hbm>> -> memref<256x128xf32, #tpu.memory_space<hbm>>
      tpu.wait_dma2 semaphore(%arg12 : memref<!tpu.dma_semaphore, #tpu.memory_space<semaphore_mem>>) src(%arg8 : memref<256x128xf32, #tpu.memory_space<vmem>>) dst(%dma_wait3A_131 : memref<256x128xf32, #tpu.memory_space<hbm>>)
      %add3A_132 = arith.constant 1792 : i32
      %add3A_133 = arith.addi %mul3A_2, %add3A_132 : i32
      %dma_start3A_134 = arith.constant 0 : i32
      %dma_start3A_135 = tpu.memref_slice %arg3[%add3A_133, %dma_start3A_134] : memref<4096x128xf32, #tpu.memory_space<hbm>> -> memref<256x128xf32, #tpu.memory_space<hbm>>
      %dma_start3A_136 = arith.constant 0 : i32
      %dma_start3A_137 = tpu.memref_slice %arg3[%add3A_133, %dma_start3A_136] : memref<4096x128xf32, #tpu.memory_space<hbm>> -> memref<256x128xf32, #tpu.memory_space<hbm>>
      tpu.enqueue_dma source(%dma_start3A_137 : memref<256x128xf32, #tpu.memory_space<hbm>>) target(%arg8 : memref<256x128xf32, #tpu.memory_space<vmem>>) target_semaphore(%arg10 : memref<!tpu.dma_semaphore, #tpu.memory_space<semaphore_mem>>)
      %dma_wait3A_138 = arith.constant 0 : i32
      %dma_wait3A_139 = tpu.memref_slice %arg3[%add3A_113, %dma_wait3A_138] : memref<4096x128xf32, #tpu.memory_space<hbm>> -> memref<256x128xf32, #tpu.memory_space<hbm>>
      %dma_wait3A_140 = arith.constant 0 : i32
      %dma_wait3A_141 = tpu.memref_slice %arg3[%add3A_113, %dma_wait3A_140] : memref<4096x128xf32, #tpu.memory_space<hbm>> -> memref<256x128xf32, #tpu.memory_space<hbm>>
      tpu.wait_dma2 semaphore(%arg9 : memref<!tpu.dma_semaphore, #tpu.memory_space<semaphore_mem>>) src(%dma_wait3A_141 : memref<256x128xf32, #tpu.memory_space<hbm>>) dst(%arg7 : memref<256x128xf32, #tpu.memory_space<vmem>>)
      %add3A_142 = arith.constant 1536 : i32
      %add3A_143 = arith.addi %mul3A_2, %add3A_142 : i32
      %dma_start3A_144 = arith.constant 0 : i32
      %dma_start3A_145 = tpu.memref_slice %arg5[%add3A_143, %dma_start3A_144] : memref<65536x128xf32, #tpu.memory_space<hbm>> -> memref<256x128xf32, #tpu.memory_space<hbm>>
      %dma_start3A_146 = arith.constant 0 : i32
      %dma_start3A_147 = tpu.memref_slice %arg5[%add3A_143, %dma_start3A_146] : memref<65536x128xf32, #tpu.memory_space<hbm>> -> memref<256x128xf32, #tpu.memory_space<hbm>>
      tpu.enqueue_dma source(%arg7 : memref<256x128xf32, #tpu.memory_space<vmem>>) target(%dma_start3A_147 : memref<256x128xf32, #tpu.memory_space<hbm>>) target_semaphore(%arg11 : memref<!tpu.dma_semaphore, #tpu.memory_space<semaphore_mem>>)
      %dma_wait3A_148 = arith.constant 0 : i32
      %dma_wait3A_149 = tpu.memref_slice %arg3[%add3A_133, %dma_wait3A_148] : memref<4096x128xf32, #tpu.memory_space<hbm>> -> memref<256x128xf32, #tpu.memory_space<hbm>>
      %dma_wait3A_150 = arith.constant 0 : i32
      %dma_wait3A_151 = tpu.memref_slice %arg3[%add3A_133, %dma_wait3A_150] : memref<4096x128xf32, #tpu.memory_space<hbm>> -> memref<256x128xf32, #tpu.memory_space<hbm>>
      tpu.wait_dma2 semaphore(%arg10 : memref<!tpu.dma_semaphore, #tpu.memory_space<semaphore_mem>>) src(%dma_wait3A_151 : memref<256x128xf32, #tpu.memory_space<hbm>>) dst(%arg8 : memref<256x128xf32, #tpu.memory_space<vmem>>)
      %add3A_152 = arith.constant 1792 : i32
      %add3A_153 = arith.addi %mul3A_2, %add3A_152 : i32
      %dma_start3A_154 = arith.constant 0 : i32
      %dma_start3A_155 = tpu.memref_slice %arg5[%add3A_153, %dma_start3A_154] : memref<65536x128xf32, #tpu.memory_space<hbm>> -> memref<256x128xf32, #tpu.memory_space<hbm>>
      %dma_start3A_156 = arith.constant 0 : i32
      %dma_start3A_157 = tpu.memref_slice %arg5[%add3A_153, %dma_start3A_156] : memref<65536x128xf32, #tpu.memory_space<hbm>> -> memref<256x128xf32, #tpu.memory_space<hbm>>
      tpu.enqueue_dma source(%arg8 : memref<256x128xf32, #tpu.memory_space<vmem>>) target(%dma_start3A_157 : memref<256x128xf32, #tpu.memory_space<hbm>>) target_semaphore(%arg12 : memref<!tpu.dma_semaphore, #tpu.memory_space<semaphore_mem>>)
      %dma_wait3A_158 = arith.constant 0 : i32
      %dma_wait3A_159 = tpu.memref_slice %arg5[%add3A_153, %dma_wait3A_158] : memref<65536x128xf32, #tpu.memory_space<hbm>> -> memref<256x128xf32, #tpu.memory_space<hbm>>
      %dma_wait3A_160 = arith.constant 0 : i32
      %dma_wait3A_161 = tpu.memref_slice %arg5[%add3A_153, %dma_wait3A_160] : memref<65536x128xf32, #tpu.memory_space<hbm>> -> memref<256x128xf32, #tpu.memory_space<hbm>>
      tpu.wait_dma2 semaphore(%arg12 : memref<!tpu.dma_semaphore, #tpu.memory_space<semaphore_mem>>) src(%arg8 : memref<256x128xf32, #tpu.memory_space<vmem>>) dst(%dma_wait3A_161 : memref<256x128xf32, #tpu.memory_space<hbm>>)
      %dma_wait3A_162 = arith.constant 0 : i32
      %dma_wait3A_163 = tpu.memref_slice %arg5[%add3A_143, %dma_wait3A_162] : memref<65536x128xf32, #tpu.memory_space<hbm>> -> memref<256x128xf32, #tpu.memory_space<hbm>>
      %dma_wait3A_164 = arith.constant 0 : i32
      %dma_wait3A_165 = tpu.memref_slice %arg5[%add3A_143, %dma_wait3A_164] : memref<65536x128xf32, #tpu.memory_space<hbm>> -> memref<256x128xf32, #tpu.memory_space<hbm>>
      tpu.wait_dma2 semaphore(%arg11 : memref<!tpu.dma_semaphore, #tpu.memory_space<semaphore_mem>>) src(%arg7 : memref<256x128xf32, #tpu.memory_space<vmem>>) dst(%dma_wait3A_165 : memref<256x128xf32, #tpu.memory_space<hbm>>)
    } else {
      %add3A_8 = arith.constant 0 : i32
      %add3A_9 = arith.addi %mul3A_2, %add3A_8 : i32
      %dma_start3A = arith.constant 0 : i32
      %dma_start3A_10 = tpu.memref_slice %arg4[%add3A_9, %dma_start3A] : memref<65536x128xf32, #tpu.memory_space<hbm>> -> memref<256x128xf32, #tpu.memory_space<hbm>>
      %dma_start3A_11 = arith.constant 0 : i32
      %dma_start3A_12 = tpu.memref_slice %arg4[%add3A_9, %dma_start3A_11] : memref<65536x128xf32, #tpu.memory_space<hbm>> -> memref<256x128xf32, #tpu.memory_space<hbm>>
      tpu.enqueue_dma source(%dma_start3A_12 : memref<256x128xf32, #tpu.memory_space<hbm>>) target(%arg7 : memref<256x128xf32, #tpu.memory_space<vmem>>) target_semaphore(%arg9 : memref<!tpu.dma_semaphore, #tpu.memory_space<semaphore_mem>>)
      %add3A_13 = arith.constant 256 : i32
      %add3A_14 = arith.addi %mul3A_2, %add3A_13 : i32
      %dma_start3A_15 = arith.constant 0 : i32
      %dma_start3A_16 = tpu.memref_slice %arg4[%add3A_14, %dma_start3A_15] : memref<65536x128xf32, #tpu.memory_space<hbm>> -> memref<256x128xf32, #tpu.memory_space<hbm>>
      %dma_start3A_17 = arith.constant 0 : i32
      %dma_start3A_18 = tpu.memref_slice %arg4[%add3A_14, %dma_start3A_17] : memref<65536x128xf32, #tpu.memory_space<hbm>> -> memref<256x128xf32, #tpu.memory_space<hbm>>
      tpu.enqueue_dma source(%dma_start3A_18 : memref<256x128xf32, #tpu.memory_space<hbm>>) target(%arg8 : memref<256x128xf32, #tpu.memory_space<vmem>>) target_semaphore(%arg10 : memref<!tpu.dma_semaphore, #tpu.memory_space<semaphore_mem>>)
      %dma_wait3A = arith.constant 0 : i32
      %dma_wait3A_19 = tpu.memref_slice %arg4[%add3A_9, %dma_wait3A] : memref<65536x128xf32, #tpu.memory_space<hbm>> -> memref<256x128xf32, #tpu.memory_space<hbm>>
      %dma_wait3A_20 = arith.constant 0 : i32
      %dma_wait3A_21 = tpu.memref_slice %arg4[%add3A_9, %dma_wait3A_20] : memref<65536x128xf32, #tpu.memory_space<hbm>> -> memref<256x128xf32, #tpu.memory_space<hbm>>
      tpu.wait_dma2 semaphore(%arg9 : memref<!tpu.dma_semaphore, #tpu.memory_space<semaphore_mem>>) src(%dma_wait3A_21 : memref<256x128xf32, #tpu.memory_space<hbm>>) dst(%arg7 : memref<256x128xf32, #tpu.memory_space<vmem>>)
      %add3A_22 = arith.constant 0 : i32
      %add3A_23 = arith.addi %mul3A_2, %add3A_22 : i32
      %dma_start3A_24 = arith.constant 0 : i32
      %dma_start3A_25 = tpu.memref_slice %arg5[%add3A_23, %dma_start3A_24] : memref<65536x128xf32, #tpu.memory_space<hbm>> -> memref<256x128xf32, #tpu.memory_space<hbm>>
      %dma_start3A_26 = arith.constant 0 : i32
      %dma_start3A_27 = tpu.memref_slice %arg5[%add3A_23, %dma_start3A_26] : memref<65536x128xf32, #tpu.memory_space<hbm>> -> memref<256x128xf32, #tpu.memory_space<hbm>>
      tpu.enqueue_dma source(%arg7 : memref<256x128xf32, #tpu.memory_space<vmem>>) target(%dma_start3A_27 : memref<256x128xf32, #tpu.memory_space<hbm>>) target_semaphore(%arg11 : memref<!tpu.dma_semaphore, #tpu.memory_space<semaphore_mem>>)
      %dma_wait3A_28 = arith.constant 0 : i32
      %dma_wait3A_29 = tpu.memref_slice %arg5[%add3A_23, %dma_wait3A_28] : memref<65536x128xf32, #tpu.memory_space<hbm>> -> memref<256x128xf32, #tpu.memory_space<hbm>>
      %dma_wait3A_30 = arith.constant 0 : i32
      %dma_wait3A_31 = tpu.memref_slice %arg5[%add3A_23, %dma_wait3A_30] : memref<65536x128xf32, #tpu.memory_space<hbm>> -> memref<256x128xf32, #tpu.memory_space<hbm>>
      tpu.wait_dma2 semaphore(%arg11 : memref<!tpu.dma_semaphore, #tpu.memory_space<semaphore_mem>>) src(%arg7 : memref<256x128xf32, #tpu.memory_space<vmem>>) dst(%dma_wait3A_31 : memref<256x128xf32, #tpu.memory_space<hbm>>)
      %add3A_32 = arith.constant 512 : i32
      %add3A_33 = arith.addi %mul3A_2, %add3A_32 : i32
      %dma_start3A_34 = arith.constant 0 : i32
      %dma_start3A_35 = tpu.memref_slice %arg4[%add3A_33, %dma_start3A_34] : memref<65536x128xf32, #tpu.memory_space<hbm>> -> memref<256x128xf32, #tpu.memory_space<hbm>>
      %dma_start3A_36 = arith.constant 0 : i32
      %dma_start3A_37 = tpu.memref_slice %arg4[%add3A_33, %dma_start3A_36] : memref<65536x128xf32, #tpu.memory_space<hbm>> -> memref<256x128xf32, #tpu.memory_space<hbm>>
      tpu.enqueue_dma source(%dma_start3A_37 : memref<256x128xf32, #tpu.memory_space<hbm>>) target(%arg7 : memref<256x128xf32, #tpu.memory_space<vmem>>) target_semaphore(%arg9 : memref<!tpu.dma_semaphore, #tpu.memory_space<semaphore_mem>>)
      %dma_wait3A_38 = arith.constant 0 : i32
      %dma_wait3A_39 = tpu.memref_slice %arg4[%add3A_14, %dma_wait3A_38] : memref<65536x128xf32, #tpu.memory_space<hbm>> -> memref<256x128xf32, #tpu.memory_space<hbm>>
      %dma_wait3A_40 = arith.constant 0 : i32
      %dma_wait3A_41 = tpu.memref_slice %arg4[%add3A_14, %dma_wait3A_40] : memref<65536x128xf32, #tpu.memory_space<hbm>> -> memref<256x128xf32, #tpu.memory_space<hbm>>
      tpu.wait_dma2 semaphore(%arg10 : memref<!tpu.dma_semaphore, #tpu.memory_space<semaphore_mem>>) src(%dma_wait3A_41 : memref<256x128xf32, #tpu.memory_space<hbm>>) dst(%arg8 : memref<256x128xf32, #tpu.memory_space<vmem>>)
      %add3A_42 = arith.constant 256 : i32
      %add3A_43 = arith.addi %mul3A_2, %add3A_42 : i32
      %dma_start3A_44 = arith.constant 0 : i32
      %dma_start3A_45 = tpu.memref_slice %arg5[%add3A_43, %dma_start3A_44] : memref<65536x128xf32, #tpu.memory_space<hbm>> -> memref<256x128xf32, #tpu.memory_space<hbm>>
      %dma_start3A_46 = arith.constant 0 : i32
      %dma_start3A_47 = tpu.memref_slice %arg5[%add3A_43, %dma_start3A_46] : memref<65536x128xf32, #tpu.memory_space<hbm>> -> memref<256x128xf32, #tpu.memory_space<hbm>>
      tpu.enqueue_dma source(%arg8 : memref<256x128xf32, #tpu.memory_space<vmem>>) target(%dma_start3A_47 : memref<256x128xf32, #tpu.memory_space<hbm>>) target_semaphore(%arg12 : memref<!tpu.dma_semaphore, #tpu.memory_space<semaphore_mem>>)
      %dma_wait3A_48 = arith.constant 0 : i32
      %dma_wait3A_49 = tpu.memref_slice %arg5[%add3A_43, %dma_wait3A_48] : memref<65536x128xf32, #tpu.memory_space<hbm>> -> memref<256x128xf32, #tpu.memory_space<hbm>>
      %dma_wait3A_50 = arith.constant 0 : i32
      %dma_wait3A_51 = tpu.memref_slice %arg5[%add3A_43, %dma_wait3A_50] : memref<65536x128xf32, #tpu.memory_space<hbm>> -> memref<256x128xf32, #tpu.memory_space<hbm>>
      tpu.wait_dma2 semaphore(%arg12 : memref<!tpu.dma_semaphore, #tpu.memory_space<semaphore_mem>>) src(%arg8 : memref<256x128xf32, #tpu.memory_space<vmem>>) dst(%dma_wait3A_51 : memref<256x128xf32, #tpu.memory_space<hbm>>)
      %add3A_52 = arith.constant 768 : i32
      %add3A_53 = arith.addi %mul3A_2, %add3A_52 : i32
      %dma_start3A_54 = arith.constant 0 : i32
      %dma_start3A_55 = tpu.memref_slice %arg4[%add3A_53, %dma_start3A_54] : memref<65536x128xf32, #tpu.memory_space<hbm>> -> memref<256x128xf32, #tpu.memory_space<hbm>>
      %dma_start3A_56 = arith.constant 0 : i32
      %dma_start3A_57 = tpu.memref_slice %arg4[%add3A_53, %dma_start3A_56] : memref<65536x128xf32, #tpu.memory_space<hbm>> -> memref<256x128xf32, #tpu.memory_space<hbm>>
      tpu.enqueue_dma source(%dma_start3A_57 : memref<256x128xf32, #tpu.memory_space<hbm>>) target(%arg8 : memref<256x128xf32, #tpu.memory_space<vmem>>) target_semaphore(%arg10 : memref<!tpu.dma_semaphore, #tpu.memory_space<semaphore_mem>>)
      %dma_wait3A_58 = arith.constant 0 : i32
      %dma_wait3A_59 = tpu.memref_slice %arg4[%add3A_33, %dma_wait3A_58] : memref<65536x128xf32, #tpu.memory_space<hbm>> -> memref<256x128xf32, #tpu.memory_space<hbm>>
      %dma_wait3A_60 = arith.constant 0 : i32
      %dma_wait3A_61 = tpu.memref_slice %arg4[%add3A_33, %dma_wait3A_60] : memref<65536x128xf32, #tpu.memory_space<hbm>> -> memref<256x128xf32, #tpu.memory_space<hbm>>
      tpu.wait_dma2 semaphore(%arg9 : memref<!tpu.dma_semaphore, #tpu.memory_space<semaphore_mem>>) src(%dma_wait3A_61 : memref<256x128xf32, #tpu.memory_space<hbm>>) dst(%arg7 : memref<256x128xf32, #tpu.memory_space<vmem>>)
      %add3A_62 = arith.constant 512 : i32
      %add3A_63 = arith.addi %mul3A_2, %add3A_62 : i32
      %dma_start3A_64 = arith.constant 0 : i32
      %dma_start3A_65 = tpu.memref_slice %arg5[%add3A_63, %dma_start3A_64] : memref<65536x128xf32, #tpu.memory_space<hbm>> -> memref<256x128xf32, #tpu.memory_space<hbm>>
      %dma_start3A_66 = arith.constant 0 : i32
      %dma_start3A_67 = tpu.memref_slice %arg5[%add3A_63, %dma_start3A_66] : memref<65536x128xf32, #tpu.memory_space<hbm>> -> memref<256x128xf32, #tpu.memory_space<hbm>>
      tpu.enqueue_dma source(%arg7 : memref<256x128xf32, #tpu.memory_space<vmem>>) target(%dma_start3A_67 : memref<256x128xf32, #tpu.memory_space<hbm>>) target_semaphore(%arg11 : memref<!tpu.dma_semaphore, #tpu.memory_space<semaphore_mem>>)
      %dma_wait3A_68 = arith.constant 0 : i32
      %dma_wait3A_69 = tpu.memref_slice %arg5[%add3A_63, %dma_wait3A_68] : memref<65536x128xf32, #tpu.memory_space<hbm>> -> memref<256x128xf32, #tpu.memory_space<hbm>>
      %dma_wait3A_70 = arith.constant 0 : i32
      %dma_wait3A_71 = tpu.memref_slice %arg5[%add3A_63, %dma_wait3A_70] : memref<65536x128xf32, #tpu.memory_space<hbm>> -> memref<256x128xf32, #tpu.memory_space<hbm>>
      tpu.wait_dma2 semaphore(%arg11 : memref<!tpu.dma_semaphore, #tpu.memory_space<semaphore_mem>>) src(%arg7 : memref<256x128xf32, #tpu.memory_space<vmem>>) dst(%dma_wait3A_71 : memref<256x128xf32, #tpu.memory_space<hbm>>)
      %add3A_72 = arith.constant 1024 : i32
      %add3A_73 = arith.addi %mul3A_2, %add3A_72 : i32
      %dma_start3A_74 = arith.constant 0 : i32
      %dma_start3A_75 = tpu.memref_slice %arg4[%add3A_73, %dma_start3A_74] : memref<65536x128xf32, #tpu.memory_space<hbm>> -> memref<256x128xf32, #tpu.memory_space<hbm>>
      %dma_start3A_76 = arith.constant 0 : i32
      %dma_start3A_77 = tpu.memref_slice %arg4[%add3A_73, %dma_start3A_76] : memref<65536x128xf32, #tpu.memory_space<hbm>> -> memref<256x128xf32, #tpu.memory_space<hbm>>
      tpu.enqueue_dma source(%dma_start3A_77 : memref<256x128xf32, #tpu.memory_space<hbm>>) target(%arg7 : memref<256x128xf32, #tpu.memory_space<vmem>>) target_semaphore(%arg9 : memref<!tpu.dma_semaphore, #tpu.memory_space<semaphore_mem>>)
      %dma_wait3A_78 = arith.constant 0 : i32
      %dma_wait3A_79 = tpu.memref_slice %arg4[%add3A_53, %dma_wait3A_78] : memref<65536x128xf32, #tpu.memory_space<hbm>> -> memref<256x128xf32, #tpu.memory_space<hbm>>
      %dma_wait3A_80 = arith.constant 0 : i32
      %dma_wait3A_81 = tpu.memref_slice %arg4[%add3A_53, %dma_wait3A_80] : memref<65536x128xf32, #tpu.memory_space<hbm>> -> memref<256x128xf32, #tpu.memory_space<hbm>>
      tpu.wait_dma2 semaphore(%arg10 : memref<!tpu.dma_semaphore, #tpu.memory_space<semaphore_mem>>) src(%dma_wait3A_81 : memref<256x128xf32, #tpu.memory_space<hbm>>) dst(%arg8 : memref<256x128xf32, #tpu.memory_space<vmem>>)
      %add3A_82 = arith.constant 768 : i32
      %add3A_83 = arith.addi %mul3A_2, %add3A_82 : i32
      %dma_start3A_84 = arith.constant 0 : i32
      %dma_start3A_85 = tpu.memref_slice %arg5[%add3A_83, %dma_start3A_84] : memref<65536x128xf32, #tpu.memory_space<hbm>> -> memref<256x128xf32, #tpu.memory_space<hbm>>
      %dma_start3A_86 = arith.constant 0 : i32
      %dma_start3A_87 = tpu.memref_slice %arg5[%add3A_83, %dma_start3A_86] : memref<65536x128xf32, #tpu.memory_space<hbm>> -> memref<256x128xf32, #tpu.memory_space<hbm>>
      tpu.enqueue_dma source(%arg8 : memref<256x128xf32, #tpu.memory_space<vmem>>) target(%dma_start3A_87 : memref<256x128xf32, #tpu.memory_space<hbm>>) target_semaphore(%arg12 : memref<!tpu.dma_semaphore, #tpu.memory_space<semaphore_mem>>)
      %dma_wait3A_88 = arith.constant 0 : i32
      %dma_wait3A_89 = tpu.memref_slice %arg5[%add3A_83, %dma_wait3A_88] : memref<65536x128xf32, #tpu.memory_space<hbm>> -> memref<256x128xf32, #tpu.memory_space<hbm>>
      %dma_wait3A_90 = arith.constant 0 : i32
      %dma_wait3A_91 = tpu.memref_slice %arg5[%add3A_83, %dma_wait3A_90] : memref<65536x128xf32, #tpu.memory_space<hbm>> -> memref<256x128xf32, #tpu.memory_space<hbm>>
      tpu.wait_dma2 semaphore(%arg12 : memref<!tpu.dma_semaphore, #tpu.memory_space<semaphore_mem>>) src(%arg8 : memref<256x128xf32, #tpu.memory_space<vmem>>) dst(%dma_wait3A_91 : memref<256x128xf32, #tpu.memory_space<hbm>>)
      %add3A_92 = arith.constant 1280 : i32
      %add3A_93 = arith.addi %mul3A_2, %add3A_92 : i32
      %dma_start3A_94 = arith.constant 0 : i32
      %dma_start3A_95 = tpu.memref_slice %arg4[%add3A_93, %dma_start3A_94] : memref<65536x128xf32, #tpu.memory_space<hbm>> -> memref<256x128xf32, #tpu.memory_space<hbm>>
      %dma_start3A_96 = arith.constant 0 : i32
      %dma_start3A_97 = tpu.memref_slice %arg4[%add3A_93, %dma_start3A_96] : memref<65536x128xf32, #tpu.memory_space<hbm>> -> memref<256x128xf32, #tpu.memory_space<hbm>>
      tpu.enqueue_dma source(%dma_start3A_97 : memref<256x128xf32, #tpu.memory_space<hbm>>) target(%arg8 : memref<256x128xf32, #tpu.memory_space<vmem>>) target_semaphore(%arg10 : memref<!tpu.dma_semaphore, #tpu.memory_space<semaphore_mem>>)
      %dma_wait3A_98 = arith.constant 0 : i32
      %dma_wait3A_99 = tpu.memref_slice %arg4[%add3A_73, %dma_wait3A_98] : memref<65536x128xf32, #tpu.memory_space<hbm>> -> memref<256x128xf32, #tpu.memory_space<hbm>>
      %dma_wait3A_100 = arith.constant 0 : i32
      %dma_wait3A_101 = tpu.memref_slice %arg4[%add3A_73, %dma_wait3A_100] : memref<65536x128xf32, #tpu.memory_space<hbm>> -> memref<256x128xf32, #tpu.memory_space<hbm>>
      tpu.wait_dma2 semaphore(%arg9 : memref<!tpu.dma_semaphore, #tpu.memory_space<semaphore_mem>>) src(%dma_wait3A_101 : memref<256x128xf32, #tpu.memory_space<hbm>>) dst(%arg7 : memref<256x128xf32, #tpu.memory_space<vmem>>)
      %add3A_102 = arith.constant 1024 : i32
      %add3A_103 = arith.addi %mul3A_2, %add3A_102 : i32
      %dma_start3A_104 = arith.constant 0 : i32
      %dma_start3A_105 = tpu.memref_slice %arg5[%add3A_103, %dma_start3A_104] : memref<65536x128xf32, #tpu.memory_space<hbm>> -> memref<256x128xf32, #tpu.memory_space<hbm>>
      %dma_start3A_106 = arith.constant 0 : i32
      %dma_start3A_107 = tpu.memref_slice %arg5[%add3A_103, %dma_start3A_106] : memref<65536x128xf32, #tpu.memory_space<hbm>> -> memref<256x128xf32, #tpu.memory_space<hbm>>
      tpu.enqueue_dma source(%arg7 : memref<256x128xf32, #tpu.memory_space<vmem>>) target(%dma_start3A_107 : memref<256x128xf32, #tpu.memory_space<hbm>>) target_semaphore(%arg11 : memref<!tpu.dma_semaphore, #tpu.memory_space<semaphore_mem>>)
      %dma_wait3A_108 = arith.constant 0 : i32
      %dma_wait3A_109 = tpu.memref_slice %arg5[%add3A_103, %dma_wait3A_108] : memref<65536x128xf32, #tpu.memory_space<hbm>> -> memref<256x128xf32, #tpu.memory_space<hbm>>
      %dma_wait3A_110 = arith.constant 0 : i32
      %dma_wait3A_111 = tpu.memref_slice %arg5[%add3A_103, %dma_wait3A_110] : memref<65536x128xf32, #tpu.memory_space<hbm>> -> memref<256x128xf32, #tpu.memory_space<hbm>>
      tpu.wait_dma2 semaphore(%arg11 : memref<!tpu.dma_semaphore, #tpu.memory_space<semaphore_mem>>) src(%arg7 : memref<256x128xf32, #tpu.memory_space<vmem>>) dst(%dma_wait3A_111 : memref<256x128xf32, #tpu.memory_space<hbm>>)
      %add3A_112 = arith.constant 1536 : i32
      %add3A_113 = arith.addi %mul3A_2, %add3A_112 : i32
      %dma_start3A_114 = arith.constant 0 : i32
      %dma_start3A_115 = tpu.memref_slice %arg4[%add3A_113, %dma_start3A_114] : memref<65536x128xf32, #tpu.memory_space<hbm>> -> memref<256x128xf32, #tpu.memory_space<hbm>>
      %dma_start3A_116 = arith.constant 0 : i32
      %dma_start3A_117 = tpu.memref_slice %arg4[%add3A_113, %dma_start3A_116] : memref<65536x128xf32, #tpu.memory_space<hbm>> -> memref<256x128xf32, #tpu.memory_space<hbm>>
      tpu.enqueue_dma source(%dma_start3A_117 : memref<256x128xf32, #tpu.memory_space<hbm>>) target(%arg7 : memref<256x128xf32, #tpu.memory_space<vmem>>) target_semaphore(%arg9 : memref<!tpu.dma_semaphore, #tpu.memory_space<semaphore_mem>>)
      %dma_wait3A_118 = arith.constant 0 : i32
      %dma_wait3A_119 = tpu.memref_slice %arg4[%add3A_93, %dma_wait3A_118] : memref<65536x128xf32, #tpu.memory_space<hbm>> -> memref<256x128xf32, #tpu.memory_space<hbm>>
      %dma_wait3A_120 = arith.constant 0 : i32
      %dma_wait3A_121 = tpu.memref_slice %arg4[%add3A_93, %dma_wait3A_120] : memref<65536x128xf32, #tpu.memory_space<hbm>> -> memref<256x128xf32, #tpu.memory_space<hbm>>
      tpu.wait_dma2 semaphore(%arg10 : memref<!tpu.dma_semaphore, #tpu.memory_space<semaphore_mem>>) src(%dma_wait3A_121 : memref<256x128xf32, #tpu.memory_space<hbm>>) dst(%arg8 : memref<256x128xf32, #tpu.memory_space<vmem>>)
      %add3A_122 = arith.constant 1280 : i32
      %add3A_123 = arith.addi %mul3A_2, %add3A_122 : i32
      %dma_start3A_124 = arith.constant 0 : i32
      %dma_start3A_125 = tpu.memref_slice %arg5[%add3A_123, %dma_start3A_124] : memref<65536x128xf32, #tpu.memory_space<hbm>> -> memref<256x128xf32, #tpu.memory_space<hbm>>
      %dma_start3A_126 = arith.constant 0 : i32
      %dma_start3A_127 = tpu.memref_slice %arg5[%add3A_123, %dma_start3A_126] : memref<65536x128xf32, #tpu.memory_space<hbm>> -> memref<256x128xf32, #tpu.memory_space<hbm>>
      tpu.enqueue_dma source(%arg8 : memref<256x128xf32, #tpu.memory_space<vmem>>) target(%dma_start3A_127 : memref<256x128xf32, #tpu.memory_space<hbm>>) target_semaphore(%arg12 : memref<!tpu.dma_semaphore, #tpu.memory_space<semaphore_mem>>)
      %dma_wait3A_128 = arith.constant 0 : i32
      %dma_wait3A_129 = tpu.memref_slice %arg5[%add3A_123, %dma_wait3A_128] : memref<65536x128xf32, #tpu.memory_space<hbm>> -> memref<256x128xf32, #tpu.memory_space<hbm>>
      %dma_wait3A_130 = arith.constant 0 : i32
      %dma_wait3A_131 = tpu.memref_slice %arg5[%add3A_123, %dma_wait3A_130] : memref<65536x128xf32, #tpu.memory_space<hbm>> -> memref<256x128xf32, #tpu.memory_space<hbm>>
      tpu.wait_dma2 semaphore(%arg12 : memref<!tpu.dma_semaphore, #tpu.memory_space<semaphore_mem>>) src(%arg8 : memref<256x128xf32, #tpu.memory_space<vmem>>) dst(%dma_wait3A_131 : memref<256x128xf32, #tpu.memory_space<hbm>>)
      %add3A_132 = arith.constant 1792 : i32
      %add3A_133 = arith.addi %mul3A_2, %add3A_132 : i32
      %dma_start3A_134 = arith.constant 0 : i32
      %dma_start3A_135 = tpu.memref_slice %arg4[%add3A_133, %dma_start3A_134] : memref<65536x128xf32, #tpu.memory_space<hbm>> -> memref<256x128xf32, #tpu.memory_space<hbm>>
      %dma_start3A_136 = arith.constant 0 : i32
      %dma_start3A_137 = tpu.memref_slice %arg4[%add3A_133, %dma_start3A_136] : memref<65536x128xf32, #tpu.memory_space<hbm>> -> memref<256x128xf32, #tpu.memory_space<hbm>>
      tpu.enqueue_dma source(%dma_start3A_137 : memref<256x128xf32, #tpu.memory_space<hbm>>) target(%arg8 : memref<256x128xf32, #tpu.memory_space<vmem>>) target_semaphore(%arg10 : memref<!tpu.dma_semaphore, #tpu.memory_space<semaphore_mem>>)
      %dma_wait3A_138 = arith.constant 0 : i32
      %dma_wait3A_139 = tpu.memref_slice %arg4[%add3A_113, %dma_wait3A_138] : memref<65536x128xf32, #tpu.memory_space<hbm>> -> memref<256x128xf32, #tpu.memory_space<hbm>>
      %dma_wait3A_140 = arith.constant 0 : i32
      %dma_wait3A_141 = tpu.memref_slice %arg4[%add3A_113, %dma_wait3A_140] : memref<65536x128xf32, #tpu.memory_space<hbm>> -> memref<256x128xf32, #tpu.memory_space<hbm>>
      tpu.wait_dma2 semaphore(%arg9 : memref<!tpu.dma_semaphore, #tpu.memory_space<semaphore_mem>>) src(%dma_wait3A_141 : memref<256x128xf32, #tpu.memory_space<hbm>>) dst(%arg7 : memref<256x128xf32, #tpu.memory_space<vmem>>)
      %add3A_142 = arith.constant 1536 : i32
      %add3A_143 = arith.addi %mul3A_2, %add3A_142 : i32
      %dma_start3A_144 = arith.constant 0 : i32
      %dma_start3A_145 = tpu.memref_slice %arg5[%add3A_143, %dma_start3A_144] : memref<65536x128xf32, #tpu.memory_space<hbm>> -> memref<256x128xf32, #tpu.memory_space<hbm>>
      %dma_start3A_146 = arith.constant 0 : i32
      %dma_start3A_147 = tpu.memref_slice %arg5[%add3A_143, %dma_start3A_146] : memref<65536x128xf32, #tpu.memory_space<hbm>> -> memref<256x128xf32, #tpu.memory_space<hbm>>
      tpu.enqueue_dma source(%arg7 : memref<256x128xf32, #tpu.memory_space<vmem>>) target(%dma_start3A_147 : memref<256x128xf32, #tpu.memory_space<hbm>>) target_semaphore(%arg11 : memref<!tpu.dma_semaphore, #tpu.memory_space<semaphore_mem>>)
      %dma_wait3A_148 = arith.constant 0 : i32
      %dma_wait3A_149 = tpu.memref_slice %arg4[%add3A_133, %dma_wait3A_148] : memref<65536x128xf32, #tpu.memory_space<hbm>> -> memref<256x128xf32, #tpu.memory_space<hbm>>
      %dma_wait3A_150 = arith.constant 0 : i32
      %dma_wait3A_151 = tpu.memref_slice %arg4[%add3A_133, %dma_wait3A_150] : memref<65536x128xf32, #tpu.memory_space<hbm>> -> memref<256x128xf32, #tpu.memory_space<hbm>>
      tpu.wait_dma2 semaphore(%arg10 : memref<!tpu.dma_semaphore, #tpu.memory_space<semaphore_mem>>) src(%dma_wait3A_151 : memref<256x128xf32, #tpu.memory_space<hbm>>) dst(%arg8 : memref<256x128xf32, #tpu.memory_space<vmem>>)
      %add3A_152 = arith.constant 1792 : i32
      %add3A_153 = arith.addi %mul3A_2, %add3A_152 : i32
      %dma_start3A_154 = arith.constant 0 : i32
      %dma_start3A_155 = tpu.memref_slice %arg5[%add3A_153, %dma_start3A_154] : memref<65536x128xf32, #tpu.memory_space<hbm>> -> memref<256x128xf32, #tpu.memory_space<hbm>>
      %dma_start3A_156 = arith.constant 0 : i32
      %dma_start3A_157 = tpu.memref_slice %arg5[%add3A_153, %dma_start3A_156] : memref<65536x128xf32, #tpu.memory_space<hbm>> -> memref<256x128xf32, #tpu.memory_space<hbm>>
      tpu.enqueue_dma source(%arg8 : memref<256x128xf32, #tpu.memory_space<vmem>>) target(%dma_start3A_157 : memref<256x128xf32, #tpu.memory_space<hbm>>) target_semaphore(%arg12 : memref<!tpu.dma_semaphore, #tpu.memory_space<semaphore_mem>>)
      %dma_wait3A_158 = arith.constant 0 : i32
      %dma_wait3A_159 = tpu.memref_slice %arg5[%add3A_153, %dma_wait3A_158] : memref<65536x128xf32, #tpu.memory_space<hbm>> -> memref<256x128xf32, #tpu.memory_space<hbm>>
      %dma_wait3A_160 = arith.constant 0 : i32
      %dma_wait3A_161 = tpu.memref_slice %arg5[%add3A_153, %dma_wait3A_160] : memref<65536x128xf32, #tpu.memory_space<hbm>> -> memref<256x128xf32, #tpu.memory_space<hbm>>
      tpu.wait_dma2 semaphore(%arg12 : memref<!tpu.dma_semaphore, #tpu.memory_space<semaphore_mem>>) src(%arg8 : memref<256x128xf32, #tpu.memory_space<vmem>>) dst(%dma_wait3A_161 : memref<256x128xf32, #tpu.memory_space<hbm>>)
      %dma_wait3A_162 = arith.constant 0 : i32
      %dma_wait3A_163 = tpu.memref_slice %arg5[%add3A_143, %dma_wait3A_162] : memref<65536x128xf32, #tpu.memory_space<hbm>> -> memref<256x128xf32, #tpu.memory_space<hbm>>
      %dma_wait3A_164 = arith.constant 0 : i32
      %dma_wait3A_165 = tpu.memref_slice %arg5[%add3A_143, %dma_wait3A_164] : memref<65536x128xf32, #tpu.memory_space<hbm>> -> memref<256x128xf32, #tpu.memory_space<hbm>>
      tpu.wait_dma2 semaphore(%arg11 : memref<!tpu.dma_semaphore, #tpu.memory_space<semaphore_mem>>) src(%arg7 : memref<256x128xf32, #tpu.memory_space<vmem>>) dst(%dma_wait3A_165 : memref<256x128xf32, #tpu.memory_space<hbm>>)
    }
    return
  }
}

module attributes {stable_mosaic.version = 14 : i64} {
  func.func @_tr_kernel(%arg0: i32, %arg1: memref<2048x128xf32, #tpu.memory_space<vmem>>, %arg2: memref<128x2048xf32, #tpu.memory_space<vmem>>) attributes {dimension_semantics = [#tpu.dimension_semantics<arbitrary>], iteration_bounds = array<i64: 32>, scalar_prefetch = 0 : i64, scratch_operands = 0 : i64, tpu.core_type = #tpu.core_type<tc>, window_params = [{transform_indices = @transform_0, window_bounds = array<i64: 2048, 128>}, {transform_indices = @transform_1, window_bounds = array<i64: 128, 2048>}]} {
    %get3A = arith.constant 0 : index
    %get3A_0 = arith.constant 0 : index
    %get3A_1 = vector.load %arg1[%get3A, %get3A_0] : memref<2048x128xf32, #tpu.memory_space<vmem>>, vector<2048x128xf32>
    %transpose3A = tpu.transpose %get3A_1, [1, 0] : vector<2048x128xf32> -> vector<128x2048xf32>
    %swap3A = arith.constant 0 : index
    %swap3A_2 = arith.constant 0 : index
    %swap3A_3 = vector.load %arg2[%swap3A, %swap3A_2] : memref<128x2048xf32, #tpu.memory_space<vmem>>, vector<128x2048xf32>
    tpu.vector_store %arg2[%swap3A, %swap3A_2], %transpose3A {strides = array<i32>} : memref<128x2048xf32, #tpu.memory_space<vmem>>, vector<128x2048xf32>,
    return
  }
  func.func @transform_0(%arg0: i32) -> (i32, i32) {
    %c0_i32 = arith.constant 0 : i32
    %c0_i32_0 = arith.constant 0 : i32
    return %arg0, %c0_i32 : i32, i32
  }
  func.func @transform_1(%arg0: i32) -> (i32, i32) {
    %c0_i32 = arith.constant 0 : i32
    %c0_i32_0 = arith.constant 0 : i32
    return %c0_i32, %arg0 : i32, i32
  }
}

</mosaic_0001>

<sc_bundles>
// kernel: kernel.4.cloned.1.call-start
scs
__scs_entry_jumppad:
0x0: {  	(pc) =	sbr.rel $0x88, $3  }
0x1: {  	(tag) =	ssettag $0x0;
	lr =	simm.s32 $0x1  }
0x2: {  	[smem:$0x3F9E] =	sst lr;
	_ =	strace $0xD0000000  }
0x3: {  	_ = 	snop  }
0x4: {  	_ = 	snop  }
0x5: {  	_ = 	snop  }
0x6: {  	_ = 	snop  }
0x7: {  	_ = 	snop  }
__scs_overlays_trampoline_lowered:
0x8: {  	[smem:$0x3FAD] =	sst s0  }
0x9: {  	[smem:$0x3FAE] =	sst s1  }
0xa: {  	[smem:$0x3FAF] =	sst s2  }
0xb: {  	[smem:$0x3FB0] =	sst s3  }
0xc: {  	[smem:$0x3FB1] =	sst s4  }
0xd: {  	[smem:$0x3FB2] =	sst s5  }
0xe: {  	[smem:$0x3FB3] =	sst s6  }
0xf: {  	[smem:$0x3FB4] =	sst s7  }
0x10: {  	[smem:$0x3FB5] =	sst s8  }
0x11: {  	[smem:$0x3FB6] =	sst s9;
	s0 =	simm.s32 @!p0 $0x0  }
0x12: {  	s1 =	sld [smem:$0x3F9C];
	s0 =	simm.s32 @p0 $0x1  }
0x13: {  	[smem:$0x3FB7] =	sst s0;
	s0 =	simm.s32 @!p1 $0x0  }
0x14: {  	s2 =	sld [smem:$0x3F9B];
	s0 =	simm.s32 @p1 $0x1  }
0x15: {  	[smem:$0x3FB8] =	sst s0;
	s0 =	simm.s32 @!p2 $0x0  }
0x16: {  	s3 =	sld [smem:$0x3FDB];
	s0 =	simm.s32 @p2 $0x1  }
0x17: {  	s4 =	simm.s32 $0x1BF5;
	[smem:$0x3FBA] =	sst s0  }
0x18: {  	s0 =	sld [smem:$0x3F9D];
	_ =	swait.ge [sflag:s4], $0x0  }
0x19: {  	s7 =	sld [smem:$0x3F9E]  }
0x1a: {  	s8 =	sadd.s32 $0xFFFFE003, lr  }
0x1b: {  	s9 =	sadd.s32 $0xFFFFFEF7, lr;
	s5 =	simm.s32 $0xFFFFFFFF;
	p2 =	slt.u32 s8, $0xFFFFF086  }
0x1c: {  	p1 =	slt.u32 s9, $0xF7A;
	s5 =	simm.s32 @!p2 $0x0  }
0x1d: {  	s5 =	simm.s32 @p1 $0x1;
	p0 =	seq.s32 s7, s2  }
0x1e: {  	s7 =	smul.u32 @!p0 $0xF7A, s2;
	p2 =	seq.s32 @!p0 s5, $0x0  }
0x1f: {  	s9 =	smul.u32 $0xF7A, s1;
	s8 =	simm.s32 @!p0 $0x1BF5;
	p2 =	por !p2, p0  }
0x20: {  	[sflag:s8] =	ssyncset.s32 @!p0 $0xFFFFF086;
	s6 =	sadd.s32 @!p0 s3, s7;
	s7 =	simm.s32 @!p0 $0x108  }
0x21: {  	s3 =	sadd.s32 s3, s9;
	s6 =	sadd.s32 @!p0 $0x88, s6;
	s7 =	simm.s32 @p2 $0x1082  }
0x22: {  	[simem:s7], [sflag:s8] =	dma.local @!p0 [hbm:s6], $0xF7A  }
0x23: {  	s9 =	sor.u32 $0xD0000000, s2;
	s6 =	simm.s32 $0x108;
	_ =	swait.ge @!p0 [sflag:s8], $0x0  }
0x24: {  	s3 =	sadd.s32 $0x88, s3;
	s6 =	simm.s32 @!p1 $0x1082;
	[sflag:s4] =	ssyncset.s32 $0xFFFFF086  }
0x25: {  	[simem:s6], [sflag:s4] =	dma.local [hbm:s3], $0xF7A  }
0x26: {  	[smem:$0x3F9E] =	sst s1;
	(tag) =	ssettag s2;
	_ =	strace s9  }
0x27: {  	s1 =	sld [smem:$0x3FAE]  }
0x28: {  	s2 =	sld [smem:$0x3FAF]  }
0x29: {  	s4 =	sld [smem:$0x3FB1]  }
0x2a: {  	p0 =	seq.s32 s5, $0x0;
	s5 =	sld [smem:$0x3FB2]  }
0x2b: {  	s6 =	sld [smem:$0x3FB3]  }
0x2c: {  	s7 =	sld [smem:$0x3FB4]  }
0x2d: {  	s3 =	simm.s32 $0x108;
	s8 =	sld [smem:$0x3FB5]  }
0x2e: {  	s3 =	simm.s32 @!p0 $0x1082;
	s9 =	sld [smem:$0x3FB6]  }
0x2f: {  	lr =	sadd.s32 s0, s3;
	s0 =	sld [smem:$0x3FAD]  }
0x30: {  	s3 =	sld [smem:$0x3FB0]  }
0x31: {  	[smem:$0x3FB9] =	sst s10  }
0x32: {  	s10 =	sld [smem:$0x3FB7];
	_ =	sdelay $0x3  }
0x33: {  	p0 =	seq.s32 s10, $0x1;
	s10 =	sld [smem:$0x3FB9];
	_ =	sdelay $0x3  }
0x34: {  	[smem:$0x3FB9] =	sst s10  }
0x35: {  	s10 =	sld [smem:$0x3FB8];
	_ =	sdelay $0x3  }
0x36: {  	p1 =	seq.s32 s10, $0x1;
	s10 =	sld [smem:$0x3FB9];
	_ =	sdelay $0x3  }
0x37: {  	[smem:$0x3FB9] =	sst s10  }
0x38: {  	s10 =	sld [smem:$0x3FBA]  }
0x39: {  	_ = 	snop;
	(pc) =	sbr.ind lr, $3  }
0x3a: {  	_ = 	snop  }
0x3b: {  	_ = 	snop  }
0x3c: {  	p2 =	seq.s32 s10, $0x1;
	s10 =	sld [smem:$0x3FB9]  }
0x3d: {  	_ =	shalt  }
0x3e: {  	_ =	shalt  }
0x3f: {  	_ =	shalt  }
0x40: {  	_ =	shalt  }
0x41: {  	_ =	shalt  }
0x42: {  	_ =	shalt  }
0x43: {  	_ =	shalt  }
0x44: {  	_ =	shalt  }
0x45: {  	_ =	shalt  }
0x46: {  	_ =	shalt  }
0x47: {  	_ =	shalt  }
0x48: {  	_ =	shalt  }
0x49: {  	_ =	shalt  }
0x4a: {  	_ =	shalt  }
0x4b: {  	_ =	shalt  }
0x4c: {  	_ =	shalt  }
0x4d: {  	_ =	shalt  }
0x4e: {  	_ =	shalt  }
0x4f: {  	_ =	shalt  }
0x50: {  	_ =	shalt  }
0x51: {  	_ =	shalt  }
0x52: {  	_ =	shalt  }
0x53: {  	_ =	shalt  }
0x54: {  	_ =	shalt  }
0x55: {  	_ =	shalt  }
0x56: {  	_ =	shalt  }
0x57: {  	_ =	shalt  }
0x58: {  	_ =	shalt  }
0x59: {  	_ =	shalt  }
0x5a: {  	_ =	shalt  }
0x5b: {  	_ =	shalt  }
0x5c: {  	_ =	shalt  }
0x5d: {  	_ =	shalt  }
0x5e: {  	_ =	shalt  }
0x5f: {  	_ =	shalt  }
0x60: {  	_ =	shalt  }
0x61: {  	_ =	shalt  }
0x62: {  	_ =	shalt  }
0x63: {  	_ =	shalt  }
0x64: {  	_ =	shalt  }
0x65: {  	_ =	shalt  }
0x66: {  	_ =	shalt  }
0x67: {  	_ =	shalt  }
0x68: {  	_ =	shalt  }
0x69: {  	_ =	shalt  }
0x6a: {  	_ =	shalt  }
0x6b: {  	_ =	shalt  }
0x6c: {  	_ =	shalt  }
0x6d: {  	_ =	shalt  }
0x6e: {  	_ =	shalt  }
0x6f: {  	_ =	shalt  }
0x70: {  	_ =	shalt  }
0x71: {  	_ =	shalt  }
0x72: {  	_ =	shalt  }
0x73: {  	_ =	shalt  }
0x74: {  	_ =	shalt  }
0x75: {  	_ =	shalt  }
0x76: {  	_ =	shalt  }
0x77: {  	_ =	shalt  }
0x78: {  	_ =	shalt  }
0x79: {  	_ =	shalt  }
0x7a: {  	_ =	shalt  }
0x7b: {  	_ =	shalt  }
0x7c: {  	_ =	shalt  }
0x7d: {  	_ =	shalt  }
0x7e: {  	_ =	shalt  }
0x7f: {  	_ =	shalt  }
0x80: {  	_ =	shalt  }
0x81: {  	_ =	shalt  }
0x82: {  	_ =	shalt  }
0x83: {  	_ =	shalt  }
0x84: {  	_ =	shalt  }
0x85: {  	_ =	shalt  }
0x86: {  	_ =	shalt  }
0x87: {  	_ =	shalt  }
.Lfunc_end0:
.L_simem_size_0:
called_computation_lowered:
.L_overlay_start_0:
0x88: {  	s2 =	sld [smem:$0x3FD9]  }
0x89: {  	s3 =	sld [smem:$0x3FFE];
	_ =	sdelay $0x1  }
0x8a: {  	s1 =	srdreg.scid  }
0x8b: {  	s0 =	sand.u32 $0x1, s1  }
0x8c: {  	s15 =	sshll.u32 s0, $0xA;
	s2 =	sadd.s32 s3, s2  }
0x8d: {  	s2 =	sadd.s32 s2, s15  }
0x8e: {  	[smem:$0x3FC5] =	sst s2  }
0x8f: {  	_ = 	snop  }
0x90: {  	s2 =	sld [smem:$0x3FD0];
	_ =	sdelay $0x1  }
0x91: {  	s16 =	sld [smem:$0x3FC9]  }
0x92: {  	s5 =	simm.s32 $0xA;
	s6 =	simm.s32 $0x10;
	s4 =	sld [smem:$0x3FC8]  }
0x93: {  	[smem:s6], [sflag:s5] =	dma.local [hbm:s2], $0x1  }
0x94: {  	_ =	swait.eq [sflag:s5], $0x1  }
0x95: {  	[sflag:s5] =	ssyncset.done $0x0  }
0x96: {  	s17 =	sld [smem:$0x10];
	[sflag:s5] =	ssyncadd.s32 $0xFFFFFFFF  }
0x97: {  	s18 =	sld [smem:$0x12];
	(tm) =	ssettm $0x1  }
0x98: {  	s19 =	sld [smem:$0x3FFB];
	_ =	sdelay $0x3  }
0x99: {  	_ =	strace s19  }
0x9a: {  	s6 =	sld [smem:$0x3FFC];
	_ =	sdelay $0x3  }
0x9b: {  	_ =	strace s6  }
0x9c: {  	s6 =	sld [smem:$0x3FFD];
	_ =	sdelay $0x3  }
0x9d: {  	_ =	strace s6  }
0x9e: {  	_ =	strace $0x8FFFFFFF  }
0x9f: {  	s20 =	sld [smem:$0x3FDB];
	_ =	sdelay $0x1  }
0xa0: {  	s7 =	simm.s32 $_scs_section_size  }
0xa1: {  	s8 =	simm.s32 $_size__tile_overlayer_lowered;
	s9 =	simm.s32 $_tile_overlayer_lowered  }
0xa2: {  	s23 =	simm.s32 $0x1BFF;
	s22 =	sshll.u32 s9, $0x1;
	s6 =	sadd.s32 s7, s20  }
0xa3: {  	s10 =	simm.s32 $0x0;
	s21 =	sshll.u32 s8, $0x1;
	s8 =	sadd.s32 s22, s6  }
0xa4: {  	[timem:s10], [sflag:s23] =	dma.local [hbm:s8], s21  }
0xa5: {  	_ =	swait.ge [sflag:s23], s21  }
0xa6: {  	s7 =	ssub.s32 $0x0, s21;
	[sflag:s23] =	ssyncset.done $0x0  }
0xa7: {  	[sflag:s23] =	ssyncadd.s32 s7;
	_ =	sdelay $0x1  }
0xa8: {  	s24 =	simm.s32 $0x1B8B  }
0xa9: {  	_ =	swait.ge [sflag:s24], $0x1  }
0xaa: {  	[sflag:s24] =	ssyncset.done $0x0  }
0xab: {  	s25 =	simm.s32 $0x1B8E;
	[sflag:s24] =	ssyncadd.s32 $0xFFFFFFFF  }
0xac: {  	s26 =	simm.s32 $execute0_lowered;
	[smem:$0x3FD2] =	sst s25  }
0xad: {  	s7 =	sshll.u32 s26, $0x1;
	_ =	strace $0x80000046;
	[dreg:$0x1] =	wrdreg $0xFFFFFFFF  }
0xae: {  	s28 =	simm.s32 $_size_execute0_lowered;
	s6 =	sadd.s32 s6, s7;
	[dreg:$0x0] =	wrdreg $0x0  }
0xaf: {  	s7 =	sshll.u32 s28, $0x1;
	[dreg:$0x2] =	wrdreg s6  }
0xb0: {  	[dreg:$0x3] =	wrdreg s7  }
0xb1: {  	[dreg:$0x4] =	wrdreg $0xC0  }
0xb2: {  	_ =	task [dreg:s10], $0x5FFFF  }
0xb3: {  	[dreg:$0x1] =	wrdreg $0xFFFFFFFF  }
0xb4: {  	[dreg:$0x0] =	wrdreg $0x60  }
0xb5: {  	[dreg:$0x2] =	wrdreg s17  }
0xb6: {  	[dreg:$0x3] =	wrdreg s16  }
0xb7: {  	[dreg:$0x4] =	wrdreg s4  }
0xb8: {  	[dreg:$0x5] =	wrdreg s18  }
0xb9: {  	[dreg:$0x6] =	wrdreg $0x9  }
0xba: {  	_ =	task.clear_ibuf [dreg:s10], $0x7FFFF;
	_ =	strace $0x90000046  }
0xbb: {  	s29 =	simm.s32 $0x9;
	_ =	strace $0x80000048  }
0xbc: {  	_ =	swait.ge [sflag:s29], $0x1  }
0xbd: {  	[sflag:s29] =	ssyncadd.s32 $0xFFFFFFFF  }
0xbe: {  	_ =	strace $0x90000048  }
0xbf: {  	_ =	sfence  }
0xc0: {  	s30 =	sld [smem:$0x0];
	_ =	sdelay $0x2  }
0xc1: {  	s31 =	sshll.u32 s1, $0xD;
	s1 =	sshrl.u32 s1, $0x2  }
0xc2: {  	s3 =	sand.u32 $0x4000, s31;
	s1 =	sadd.s32 s1, s30  }
0xc3: {  	s0 =	sor.u32 s3, s0;
	s1 =	sshll.u32 s1, $0x11  }
0xc4: {  	s0 =	sor.u32 s1, s0  }
0xc5: {  	s0 =	sadd.s32 $0x8F2B, s0  }
0xc6: {  	[sflag:s0] =	ssyncadd.remote.s32 $0x1  }
0xc7: {  	_ =	sfence.sel $0xFFFF  }
0xc8: {  	[dreg:$0x0] =	wrdreg $0xFFFFFFFF;
	(pc) =	sbr.abs _section_cstart, $3  }
0xc9: {  	[dreg:$0x1] =	wrdreg $0xFFFFFFFF  }
0xca: {  	_ =	task.clear_ibuf [dreg:s10], $0x2FFFF;
	_ =	strace $0x9FFFFFFF  }
0xcb: {  	(tm) =	ssettm $0x7FFFFFFF  }
tec
execute0_lowered:
.L_overlay_start_1:
0x0: {  	(tag) =	ssettag $0x1  }
0x1: {  	s0 =	rddreg [dreg:$0x0]  }
0x2: {  	s1 =	rddreg [dreg:$0x2]  }
0x3: {  	s2 =	rddreg [dreg:$0x3]  }
0x4: {  	s8 =	rddreg [dreg:$0x4]  }
0x5: {  	s4 =	srdreg.scid;
	[dreg:$0x5] =	wrdreg s0  }
0x6: {  	s3 =	simm.s32 $0x0;
	s0 =	rddreg [dreg:$0x1];
	s4 =	sand.u32 $0x1, s4  }
0x7: {  	[smem:$0x7FF] =	sst s3;
	s7 =	sshll.u32 s4, $0xF  }
0x8: {  	_ =	strace $0x80000047;
	s12 =	sadd.s32 s0, s7;
	[dreg:$0x1b] =	wrdreg s7  }
0x9: {  	s13 =	sor.u32 $0x1000, s7;
	[dreg:$0xe] =	wrdreg s12  }
0xa: {  	s28 =	stileid.u32;
	s17 =	sor.u32 $0x2000, s7;
	[dreg:$0x1d] =	wrdreg s13  }
0xb: {  	s5 =	sshll.u32 s28, $0x10;
	s25 =	sor.u32 $0x4000, s7;
	[dreg:$0x1a] =	wrdreg s17  }
0xc: {  	s20 =	sor.u32 s7, s5;
	s23 =	sor.u32 $0x3000, s7;
	[dreg:$0x17] =	wrdreg s25  }
0xd: {  	s5 =	sadd.s32 s1, s20;
	[smem:$0x7FD] =	sst s23  }
0xe: {  	s6 =	sor.u32 $0x1000, s20;
	[dreg:$0x6] =	wrdreg s5  }
0xf: {  	s15 =	sadd.s32 s0, s13;
	[dreg:$0x1c] =	wrdreg s6  }
0x10: {  	p1 =	por $0x0, $0x0;
	s18 =	sadd.s32 s0, s17;
	[dreg:$0xf] =	wrdreg s15  }
0x11: {  	p0 =	seq.s32 s28, $0x0;
	s21 =	sadd.s32 s0, s23;
	[dreg:$0x10] =	wrdreg s18  }
0x12: {  	s4 =	ssub.s32 $0x2, s4;
	s11 =	sor.u32 $0x7000, s20;
	[dreg:$0x11] =	wrdreg s21  }
0x13: {  	s24 =	sor.u32 $0x2000, s20;
	s26 =	sadd.s32 s1, s6;
	[dreg:$0x19] =	wrdreg s11  }
0x14: {  	s16 =	sor.u32 $0x3000, s20;
	s29 =	sadd.s32 s1, s24;
	[dreg:$0x7] =	wrdreg s26  }
0x15: {  	s22 =	sor.u32 $0x4000, s20;
	s30 =	sadd.s32 s1, s16;
	[dreg:$0x8] =	wrdreg s29  }
0x16: {  	s14 =	sor.u32 $0x5000, s20;
	s31 =	sadd.s32 s1, s22;
	[dreg:$0x9] =	wrdreg s30  }
0x17: {  	s19 =	sor.u32 $0x6000, s20;
	s6 =	sadd.s32 s1, s14;
	[dreg:$0xa] =	wrdreg s31  }
0x18: {  	s10 =	sshrl.u32 s4, $0x1;
	s9 =	sadd.s32 s1, s19;
	[dreg:$0xb] =	wrdreg s6  }
0x19: {  	s4 =	ssub.s32 s4, s10;
	s1 =	sadd.s32 s1, s11;
	[dreg:$0xc] =	wrdreg s9  }
0x1a: {  	s12 =	simm.s32 $0x8080;
	s5 =	sor.u32 $0x6000, s7;
	[dreg:$0xd] =	wrdreg s1  }
0x1b: {  	s17 =	simm.s32 $0x2;
	s26 =	sadd.s32 s0, s25;
	[dreg:$0x16] =	wrdreg s5  }
0x1c: {  	s30 =	sadd.s32 s0, s5;
	s31 =	smax.u32 s4, $0x1;
	[dreg:$0x12] =	wrdreg s26  }
0x1d: {  	s25 =	sor.u32 $0x5000, s7;
	[dreg:$0x14] =	wrdreg s30;
	p2 =	sne.s32 s31, $0x1  }
.Ltmp0:
0x1e: {  	s29 =	sadd.s32 s0, s25;
	[smem:$0x7FC] =	sst s25;
	(pc) =	sbr.rel @!p2 .LBB2_1-.Ltmp0, $4  }
0x1f: {  	s13 =	simm.s32 $0x4;
	s26 =	sor.u32 $0x7000, s7;
	[dreg:$0x13] =	wrdreg s29  }
0x20: {  	s15 =	simm.s32 $0x80;
	s0 =	sadd.s32 s0, s26;
	[dreg:$0x18] =	wrdreg s26  }
0x21: {  	s18 =	simm.s32 $0x1;
	s4 =	simm.s32 $0x5;
	[dreg:$0x15] =	wrdreg s0  }
0x22: {  	s9 =	simm.s32 $0x3;
	s21 =	sadd.s32 $0xFFFFFFFF, s31;
	s0 =	rddreg [dreg:$0x5]  }
0x23: {  	[tilespmem:s3], [sflag:$0x5] =	stream.linear.gather [hbm4b:s0+s3], $0x80, $0x38;
	[tilespmem:$0x10080] =	vst v63  }
0x24: {  	_ =	swait.ge [sflag:s4], $0x80  }
0x25: {  	[sflag:s4] =	ssyncset.done $0x0  }
0x26: {  	[sflag:s4] =	ssyncadd.s32 $0xFFFFFF80  }
0x27: {  	v0 =	vld [tilespmem:$0x0];
	_ =	sdelay $0x4  }
0x28: {  	(v2sf) =	vpush v0, $0x0;
	_ =	sdelay $0x1  }
0x29: {  	[dreg:$0x1e] =	wrdreg s19  }
0x2a: {  	s30 =	rddreg [dreg:$0x15]  }
0x2b: {  	s0 =	rddreg [dreg:$0xd]  }
0x2c: {  	s1 =	rddreg [dreg:$0x14]  }
0x2d: {  	s6 =	rddreg [dreg:$0x13]  }
0x2e: {  	s8 =	rddreg [dreg:$0x12]  }
0x2f: {  	s10 =	rddreg [dreg:$0xa]  }
0x30: {  	s19 =	smov.u32 s14;
	s14 =	smov.u32 s11;
	s11 =	rddreg [dreg:$0x11]  }
0x31: {  	s29 =	rddreg [dreg:$0xe]  }
0x32: {  	s31 =	rddreg [dreg:$0x9]  }
0x33: {  	s28 =	rddreg [dreg:$0xf]  }
0x34: {  	[smem:$0x7F9] =	sst s30  }
0x35: {  	[smem:$0x7F8] =	sst s1  }
0x36: {  	s4 =	rddreg [dreg:$0xc];
	s30 =	spop (v2sf)  }
0x37: {  	[smem:$0x7F7] =	sst s6;
	p1 =	sne.s32 s30, $0x0  }
0x38: {  	s6 =	rddreg [dreg:$0xb];
	p1 =	por !p0, !p1  }
0x39: {  	s30 =	rddreg [dreg:$0x6];
	p1 =	por !p1, !p1  }
0x3a: {  	s30 =	smov.u32 @p1 s29;
	s29 =	rddreg [dreg:$0x7]  }
0x3b: {  	[tilespmem:s15], [sflag:$0x1] =	stream.linear.gather [hbm4b:s30+s3], $0x8000, $0x38;
	[tilespmem:$0x10080] =	vst v63  }
0x3c: {  	s30 =	rddreg [dreg:$0x10];
	s29 =	smov.u32 @p1 s28  }
0x3d: {  	[tilespmem:s12], [sflag:$0x2] =	stream.linear.gather [hbm4b:s29+s3], $0x8000, $0x38;
	[tilespmem:$0x10080] =	vst v63  }
0x3e: {  	s28 =	rddreg [dreg:$0x8];
	_ =	swait.ge [sflag:s18], $0x8000  }
0x3f: {  	s7 =	smov.u32 s5;
	s29 =	smov.u32 s20;
	s5 =	rddreg [dreg:$0x1b]  }
0x40: {  	[sflag:s18] =	ssyncset.done $0x0;
	s29 =	smov.u32 @p1 s5  }
0x41: {  	[sflag:s18] =	ssyncadd.s32 $0xFFFF8000;
	s29 =	sadd.s32 s2, s29  }
0x42: {  	[hbm4b:s29+s3] =	stream.linear.scatter [tilespmem:s15], [sflag:$0x3], $0x8000, $0x38;
	[tilespmem:$0x10080] =	vst v63  }
0x43: {  	_ =	swait.ge [sflag:s9], $0x8000  }
0x44: {  	[sflag:s9] =	ssyncset.done $0x0  }
0x45: {  	s28 =	smov.u32 @p1 s30;
	[sflag:s9] =	ssyncadd.s32 $0xFFFF8000  }
0x46: {  	[tilespmem:s15], [sflag:$0x1] =	stream.linear.gather [hbm4b:s28+s3], $0x8000, $0x38;
	[tilespmem:$0x10080] =	vst v63  }
0x47: {  	s28 =	rddreg [dreg:$0x1c];
	_ =	swait.ge [sflag:s17], $0x8000  }
0x48: {  	s5 =	rddreg [dreg:$0x1d]  }
0x49: {  	[sflag:s17] =	ssyncset.done $0x0;
	s28 =	smov.u32 @p1 s5  }
0x4a: {  	[sflag:s17] =	ssyncadd.s32 $0xFFFF8000;
	s28 =	sadd.s32 s2, s28  }
0x4b: {  	[hbm4b:s28+s3] =	stream.linear.scatter [tilespmem:s12], [sflag:$0x4], $0x8000, $0x38;
	[tilespmem:$0x10080] =	vst v63  }
0x4c: {  	_ =	swait.ge [sflag:s13], $0x8000  }
0x4d: {  	[sflag:s13] =	ssyncset.done $0x0  }
0x4e: {  	s31 =	smov.u32 @p1 s11;
	[sflag:s13] =	ssyncadd.s32 $0xFFFF8000  }
0x4f: {  	[tilespmem:s12], [sflag:$0x2] =	stream.linear.gather [hbm4b:s31+s3], $0x8000, $0x38;
	[tilespmem:$0x10080] =	vst v63  }
0x50: {  	_ =	swait.ge [sflag:s18], $0x8000  }
0x51: {  	s11 =	smov.u32 s24;
	s5 =	rddreg [dreg:$0x1a]  }
0x52: {  	[sflag:s18] =	ssyncset.done $0x0;
	s11 =	smov.u32 @p1 s5  }
0x53: {  	[sflag:s18] =	ssyncadd.s32 $0xFFFF8000;
	s11 =	sadd.s32 s2, s11  }
0x54: {  	[hbm4b:s11+s3] =	stream.linear.scatter [tilespmem:s15], [sflag:$0x3], $0x8000, $0x38;
	[tilespmem:$0x10080] =	vst v63  }
0x55: {  	_ =	swait.ge [sflag:s9], $0x8000  }
0x56: {  	[sflag:s9] =	ssyncset.done $0x0  }
0x57: {  	s10 =	smov.u32 @p1 s8;
	[sflag:s9] =	ssyncadd.s32 $0xFFFF8000  }
0x58: {  	[tilespmem:s15], [sflag:$0x1] =	stream.linear.gather [hbm4b:s10+s3], $0x8000, $0x38;
	[tilespmem:$0x10080] =	vst v63  }
0x59: {  	s1 =	smov.u32 s23;
	s8 =	smov.u32 s16;
	_ =	swait.ge [sflag:s17], $0x8000  }
0x5a: {  	s8 =	smov.u32 @p1 s1;
	[sflag:s17] =	ssyncset.done $0x0  }
0x5b: {  	s8 =	sadd.s32 s2, s8;
	[sflag:s17] =	ssyncadd.s32 $0xFFFF8000  }
0x5c: {  	[hbm4b:s8+s3] =	stream.linear.scatter [tilespmem:s12], [sflag:$0x4], $0x8000, $0x38;
	[tilespmem:$0x10080] =	vst v63  }
0x5d: {  	_ =	swait.ge [sflag:s13], $0x8000  }
0x5e: {  	s10 =	smov.u32 s1;
	s1 =	sld [smem:$0x7F7];
	_ =	sdelay $0x1  }
0x5f: {  	[sflag:s13] =	ssyncset.done $0x0  }
0x60: {  	[sflag:s13] =	ssyncadd.s32 $0xFFFF8000;
	s6 =	smov.u32 @p1 s1  }
0x61: {  	[tilespmem:s12], [sflag:$0x2] =	stream.linear.gather [hbm4b:s6+s3], $0x8000, $0x38;
	[tilespmem:$0x10080] =	vst v63  }
0x62: {  	_ =	swait.ge [sflag:s18], $0x8000  }
0x63: {  	s6 =	smov.u32 s22;
	s5 =	rddreg [dreg:$0x17]  }
0x64: {  	[sflag:s18] =	ssyncset.done $0x0;
	s6 =	smov.u32 @p1 s5  }
0x65: {  	[sflag:s18] =	ssyncadd.s32 $0xFFFF8000;
	s6 =	sadd.s32 s2, s6  }
0x66: {  	[hbm4b:s6+s3] =	stream.linear.scatter [tilespmem:s15], [sflag:$0x3], $0x8000, $0x38;
	[tilespmem:$0x10080] =	vst v63  }
0x67: {  	_ =	swait.ge [sflag:s9], $0x8000  }
0x68: {  	s1 =	sld [smem:$0x7F8];
	_ =	sdelay $0x1  }
0x69: {  	[sflag:s9] =	ssyncset.done $0x0  }
0x6a: {  	[sflag:s9] =	ssyncadd.s32 $0xFFFF8000;
	s4 =	smov.u32 @p1 s1  }
0x6b: {  	[tilespmem:s15], [sflag:$0x1] =	stream.linear.gather [hbm4b:s4+s3], $0x8000, $0x38;
	[tilespmem:$0x10080] =	vst v63  }
0x6c: {  	s4 =	smov.u32 s19;
	_ =	swait.ge [sflag:s17], $0x8000  }
0x6d: {  	s4 =	smov.u32 @p1 s25;
	[sflag:s17] =	ssyncset.done $0x0  }
0x6e: {  	s4 =	sadd.s32 s2, s4;
	[sflag:s17] =	ssyncadd.s32 $0xFFFF8000  }
0x6f: {  	[hbm4b:s4+s3] =	stream.linear.scatter [tilespmem:s12], [sflag:$0x4], $0x8000, $0x38;
	[tilespmem:$0x10080] =	vst v63  }
0x70: {  	_ =	swait.ge [sflag:s13], $0x8000  }
0x71: {  	s1 =	sld [smem:$0x7F9];
	_ =	sdelay $0x1  }
0x72: {  	[sflag:s13] =	ssyncset.done $0x0  }
0x73: {  	s31 =	rddreg [dreg:$0x1e];
	[sflag:s13] =	ssyncadd.s32 $0xFFFF8000;
	s0 =	smov.u32 @p1 s1  }
0x74: {  	[tilespmem:s12], [sflag:$0x2] =	stream.linear.gather [hbm4b:s0+s3], $0x8000, $0x38;
	[tilespmem:$0x10080] =	vst v63  }
0x75: {  	s0 =	smov.u32 s31;
	_ =	swait.ge [sflag:s18], $0x8000  }
0x76: {  	s0 =	smov.u32 @p1 s7;
	[sflag:s18] =	ssyncset.done $0x0  }
0x77: {  	s0 =	sadd.s32 s2, s0;
	[sflag:s18] =	ssyncadd.s32 $0xFFFF8000  }
0x78: {  	[hbm4b:s0+s3] =	stream.linear.scatter [tilespmem:s15], [sflag:$0x3], $0x8000, $0x38;
	[tilespmem:$0x10080] =	vst v63  }
0x79: {  	s0 =	smov.u32 s14;
	_ =	swait.ge [sflag:s17], $0x8000  }
0x7a: {  	s0 =	smov.u32 @p1 s26;
	[sflag:s17] =	ssyncset.done $0x0  }
0x7b: {  	s0 =	sadd.s32 s2, s0;
	[sflag:s17] =	ssyncadd.s32 $0xFFFF8000  }
0x7c: {  	[hbm4b:s0+s3] =	stream.linear.scatter [tilespmem:s12], [sflag:$0x4], $0x8000, $0x38;
	[tilespmem:$0x10080] =	vst v63  }
0x7d: {  	_ =	swait.ge [sflag:s13], $0x8000  }
0x7e: {  	p2 =	sne.s32 s21, $0x1;
	[sflag:s13] =	ssyncset.done $0x0  }
.Ltmp1:
0x7f: {  	[sflag:s13] =	ssyncadd.s32 $0xFFFF8000;
	(pc) =	sbr.rel @!p2 .LBB2_7-.Ltmp1, $4  }
0x80: {  	_ =	swait.ge [sflag:s9], $0x8000;
	[dreg:$0x1f] =	wrdreg s19  }
0x81: {  	s23 =	simm.s32 $0x5;
	s0 =	rddreg [dreg:$0x5]  }
0x82: {  	s28 =	sadd.s32 $0xFFFFFFFF, s21;
	s21 =	smov.u32 s20;
	[smem:$0x7FA] =	sst s22  }
0x83: {  	p1 =	por $0x1, $0x1;
	[sflag:s9] =	ssyncset.done $0x0;
	[smem:$0x7FB] =	sst s16  }
0x84: {  	s26 =	smov.u32 s10  }
.LBB2_4:
0x85: {  	[sflag:s9] =	ssyncadd.s32 $0xFFFF8000  }
0x86: {  	[tilespmem:s3], [sflag:$0x5] =	stream.linear.gather [hbm4b:s0+s3], $0x80, $0x38;
	[tilespmem:$0x10080] =	vst v63  }
0x87: {  	_ =	swait.ge [sflag:s23], $0x80  }
0x88: {  	[sflag:s23] =	ssyncset.done $0x0  }
0x89: {  	[sflag:s23] =	ssyncadd.s32 $0xFFFFFF80  }
0x8a: {  	v0 =	vld [tilespmem:$0x0];
	_ =	sdelay $0x4  }
0x8b: {  	(v2sf) =	vpush v0, $0x0;
	_ =	sdelay $0x2  }
0x8c: {  	s4 =	rddreg [dreg:$0x15]  }
0x8d: {  	s29 =	rddreg [dreg:$0xd]  }
0x8e: {  	s5 =	rddreg [dreg:$0x14]  }
0x8f: {  	s30 =	rddreg [dreg:$0xc]  }
0x90: {  	s6 =	rddreg [dreg:$0x13]  }
0x91: {  	s31 =	rddreg [dreg:$0xb]  }
0x92: {  	s1 =	rddreg [dreg:$0x12]  }
0x93: {  	s0 =	rddreg [dreg:$0xa]  }
0x94: {  	s11 =	rddreg [dreg:$0x11]  }
0x95: {  	s8 =	rddreg [dreg:$0x9]  }
0x96: {  	s16 =	rddreg [dreg:$0x10]  }
0x97: {  	s14 =	rddreg [dreg:$0x8]  }
0x98: {  	s7 =	rddreg [dreg:$0xe];
	s10 =	spop (v2sf)  }
0x99: {  	s20 =	rddreg [dreg:$0xf];
	p3 =	sne.s32 s10, $0x0  }
0x9a: {  	s19 =	rddreg [dreg:$0x7];
	p3 =	por !p0, !p3  }
0x9b: {  	s10 =	rddreg [dreg:$0x6];
	p3 =	por !p3, !p3  }
0x9c: {  	s10 =	smov.u32 @p3 s7;
	s7 =	rddreg [dreg:$0x1b]  }
0x9d: {  	s22 =	smov.u32 s21;
	s19 =	smov.u32 @p3 s20;
	s20 =	rddreg [dreg:$0x1c]  }
0x9e: {  	[tilespmem:s15], [sflag:$0x1] =	stream.linear.gather [hbm4b:s10+s3], $0x8000, $0x38;
	[tilespmem:$0x10080] =	vst v63  }
0x9f: {  	s22 =	smov.u32 @p3 s7;
	s7 =	rddreg [dreg:$0x1d]  }
0xa0: {  	s31 =	smov.u32 @p3 s6;
	s10 =	sld [smem:$0x7FB];
	s20 =	smov.u32 @p3 s7  }
0xa1: {  	[tilespmem:s12], [sflag:$0x2] =	stream.linear.gather [hbm4b:s19+s3], $0x8000, $0x38;
	[tilespmem:$0x10080] =	vst v63  }
0xa2: {  	s7 =	rddreg [dreg:$0x1a];
	s19 =	smov.u32 s24;
	_ =	swait.ge [sflag:s18], $0x8000  }
0xa3: {  	s19 =	smov.u32 @p3 s7;
	s7 =	sld [smem:$0x7FA];
	[sflag:s18] =	ssyncset.done $0x0  }
0xa4: {  	s22 =	sadd.s32 s2, s22;
	s6 =	rddreg [dreg:$0x17];
	[sflag:s18] =	ssyncadd.s32 $0xFFFF8000  }
0xa5: {  	[hbm4b:s22+s3] =	stream.linear.scatter [tilespmem:s15], [sflag:$0x3], $0x8000, $0x38;
	[tilespmem:$0x10080] =	vst v63  }
0xa6: {  	s7 =	smov.u32 @p3 s6;
	s6 =	rddreg [dreg:$0x1f];
	_ =	swait.ge [sflag:s9], $0x8000  }
0xa7: {  	s30 =	smov.u32 @p3 s5;
	s5 =	rddreg [dreg:$0x1e]  }
0xa8: {  	s29 =	smov.u32 @p3 s4;
	s4 =	rddreg [dreg:$0x16];
	[sflag:s9] =	ssyncset.done $0x0  }
0xa9: {  	s14 =	smov.u32 @p3 s16;
	s22 =	rddreg [dreg:$0x18];
	[sflag:s9] =	ssyncadd.s32 $0xFFFF8000  }
0xaa: {  	[tilespmem:s15], [sflag:$0x1] =	stream.linear.gather [hbm4b:s14+s3], $0x8000, $0x38;
	[tilespmem:$0x10080] =	vst v63  }
0xab: {  	s5 =	smov.u32 @p3 s4;
	s4 =	rddreg [dreg:$0x19];
	_ =	swait.ge [sflag:s17], $0x8000  }
0xac: {  	[sflag:s17] =	ssyncset.done $0x0  }
0xad: {  	s4 =	smov.u32 @p3 s22;
	s22 =	sadd.s32 s2, s20;
	[sflag:s17] =	ssyncadd.s32 $0xFFFF8000  }
0xae: {  	[hbm4b:s22+s3] =	stream.linear.scatter [tilespmem:s12], [sflag:$0x4], $0x8000, $0x38;
	[tilespmem:$0x10080] =	vst v63  }
0xaf: {  	_ =	swait.ge [sflag:s13], $0x8000  }
0xb0: {  	[sflag:s13] =	ssyncset.done $0x0  }
0xb1: {  	s8 =	smov.u32 @p3 s11;
	[sflag:s13] =	ssyncadd.s32 $0xFFFF8000  }
0xb2: {  	[tilespmem:s12], [sflag:$0x2] =	stream.linear.gather [hbm4b:s8+s3], $0x8000, $0x38;
	[tilespmem:$0x10080] =	vst v63  }
0xb3: {  	_ =	swait.ge [sflag:s18], $0x8000  }
0xb4: {  	[sflag:s18] =	ssyncset.done $0x0  }
0xb5: {  	s16 =	sadd.s32 s2, s19;
	[sflag:s18] =	ssyncadd.s32 $0xFFFF8000  }
0xb6: {  	[hbm4b:s16+s3] =	stream.linear.scatter [tilespmem:s15], [sflag:$0x3], $0x8000, $0x38;
	[tilespmem:$0x10080] =	vst v63  }
0xb7: {  	_ =	swait.ge [sflag:s9], $0x8000  }
0xb8: {  	[sflag:s9] =	ssyncset.done $0x0  }
0xb9: {  	s0 =	smov.u32 @p3 s1;
	[sflag:s9] =	ssyncadd.s32 $0xFFFF8000  }
0xba: {  	[tilespmem:s15], [sflag:$0x1] =	stream.linear.gather [hbm4b:s0+s3], $0x8000, $0x38;
	[tilespmem:$0x10080] =	vst v63  }
0xbb: {  	_ =	swait.ge [sflag:s17], $0x8000  }
0xbc: {  	s10 =	smov.u32 @p3 s26;
	[sflag:s17] =	ssyncset.done $0x0  }
0xbd: {  	s19 =	sadd.s32 s2, s10;
	[sflag:s17] =	ssyncadd.s32 $0xFFFF8000  }
0xbe: {  	[hbm4b:s19+s3] =	stream.linear.scatter [tilespmem:s12], [sflag:$0x4], $0x8000, $0x38;
	[tilespmem:$0x10080] =	vst v63  }
0xbf: {  	_ =	swait.ge [sflag:s13], $0x8000  }
0xc0: {  	[sflag:s13] =	ssyncset.done $0x0  }
0xc1: {  	[sflag:s13] =	ssyncadd.s32 $0xFFFF8000  }
0xc2: {  	[tilespmem:s12], [sflag:$0x2] =	stream.linear.gather [hbm4b:s31+s3], $0x8000, $0x38;
	[tilespmem:$0x10080] =	vst v63  }
0xc3: {  	_ =	swait.ge [sflag:s18], $0x8000  }
0xc4: {  	[sflag:s18] =	ssyncset.done $0x0  }
0xc5: {  	s20 =	sadd.s32 s2, s7;
	[sflag:s18] =	ssyncadd.s32 $0xFFFF8000  }
0xc6: {  	[hbm4b:s20+s3] =	stream.linear.scatter [tilespmem:s15], [sflag:$0x3], $0x8000, $0x38;
	[tilespmem:$0x10080] =	vst v63  }
0xc7: {  	_ =	swait.ge [sflag:s9], $0x8000  }
0xc8: {  	[sflag:s9] =	ssyncset.done $0x0  }
0xc9: {  	[sflag:s9] =	ssyncadd.s32 $0xFFFF8000  }
0xca: {  	[tilespmem:s15], [sflag:$0x1] =	stream.linear.gather [hbm4b:s30+s3], $0x8000, $0x38;
	[tilespmem:$0x10080] =	vst v63  }
0xcb: {  	_ =	swait.ge [sflag:s17], $0x8000  }
0xcc: {  	s6 =	smov.u32 @p3 s25;
	[sflag:s17] =	ssyncset.done $0x0  }
0xcd: {  	s22 =	sadd.s32 s2, s6;
	[sflag:s17] =	ssyncadd.s32 $0xFFFF8000  }
0xce: {  	[hbm4b:s22+s3] =	stream.linear.scatter [tilespmem:s12], [sflag:$0x4], $0x8000, $0x38;
	[tilespmem:$0x10080] =	vst v63  }
0xcf: {  	_ =	swait.ge [sflag:s13], $0x8000  }
0xd0: {  	[sflag:s13] =	ssyncset.done $0x0  }
0xd1: {  	[sflag:s13] =	ssyncadd.s32 $0xFFFF8000  }
0xd2: {  	[tilespmem:s12], [sflag:$0x2] =	stream.linear.gather [hbm4b:s29+s3], $0x8000, $0x38;
	[tilespmem:$0x10080] =	vst v63  }
0xd3: {  	_ =	swait.ge [sflag:s18], $0x8000  }
0xd4: {  	[sflag:s18] =	ssyncset.done $0x0  }
0xd5: {  	s30 =	sadd.s32 s2, s5;
	[sflag:s18] =	ssyncadd.s32 $0xFFFF8000  }
0xd6: {  	[hbm4b:s30+s3] =	stream.linear.scatter [tilespmem:s15], [sflag:$0x3], $0x8000, $0x38;
	[tilespmem:$0x10080] =	vst v63  }
0xd7: {  	_ =	swait.ge [sflag:s17], $0x8000  }
0xd8: {  	[sflag:s17] =	ssyncset.done $0x0  }
0xd9: {  	p2 =	sne.s32 s28, $0x1;
	s31 =	sadd.s32 s2, s4;
	[sflag:s17] =	ssyncadd.s32 $0xFFFF8000  }
0xda: {  	[hbm4b:s31+s3] =	stream.linear.scatter [tilespmem:s12], [sflag:$0x4], $0x8000, $0x38;
	[tilespmem:$0x10080] =	vst v63  }
.Ltmp2:
0xdb: {  	_ =	swait.ge [sflag:s13], $0x8000;
	(pc) =	sbr.rel @p2 .LBB2_4-.Ltmp2, $4  }
0xdc: {  	[sflag:s13] =	ssyncset.done $0x0  }
0xdd: {  	[sflag:s13] =	ssyncadd.s32 $0xFFFF8000  }
0xde: {  	_ =	swait.ge [sflag:s9], $0x8000  }
0xdf: {  	s28 =	sadd.s32 $0xFFFFFFFF, s28;
	s0 =	rddreg [dreg:$0x5];
	[sflag:s9] =	ssyncset.done $0x0  }
0xe0: {  	s29 =	rddreg [dreg:$0x1d]  }
0xe1: {  	s20 =	rddreg [dreg:$0x1b]  }
0xe2: {  	s30 =	rddreg [dreg:$0x1c]  }
0xe3: {  	s25 =	sld [smem:$0x7FB]  }
0xe4: {  	s26 =	sld [smem:$0x7FA]  }
0xe5: {  	s31 =	smov.u32 s24;
	s24 =	rddreg [dreg:$0x1f]  }
0xe6: {  	s23 =	rddreg [dreg:$0x1e]  }
0xe7: {  	s22 =	rddreg [dreg:$0x4];
	s28 =	stileid.u32;
	s4 =	simm.s32 $0x5  }
.LBB2_6:
0xe8: {  	[sflag:s9] =	ssyncadd.s32 @p1 $0xFFFF8000  }
0xe9: {  	[tilespmem:s3], [sflag:$0x5] =	stream.linear.gather [hbm4b:s0+s3], $0x80, $0x38;
	[tilespmem:$0x10080] =	vst v63  }
0xea: {  	_ =	swait.ge [sflag:s4], $0x80  }
0xeb: {  	[sflag:s4] =	ssyncset.done $0x0  }
0xec: {  	[sflag:s4] =	ssyncadd.s32 $0xFFFFFF80  }
0xed: {  	v0 =	vld [tilespmem:$0x0];
	_ =	sdelay $0x4  }
0xee: {  	(v2sf) =	vpush v0, $0x0;
	_ =	sdelay $0x6  }
0xef: {  	s0 =	rddreg [dreg:$0xe]  }
0xf0: {  	s5 =	rddreg [dreg:$0x7]  }
0xf1: {  	s6 =	rddreg [dreg:$0x13]  }
0xf2: {  	s7 =	rddreg [dreg:$0xb]  }
0xf3: {  	s8 =	rddreg [dreg:$0x12]  }
0xf4: {  	s10 =	rddreg [dreg:$0xa]  }
0xf5: {  	s11 =	rddreg [dreg:$0x11]  }
0xf6: {  	s14 =	rddreg [dreg:$0x9]  }
0xf7: {  	s16 =	rddreg [dreg:$0x10];
	s1 =	spop (v2sf)  }
0xf8: {  	s19 =	rddreg [dreg:$0x8];
	p6 =	sne.s32 s1, $0x0  }
0xf9: {  	s4 =	rddreg [dreg:$0xf];
	p0 =	por !p0, !p6  }
0xfa: {  	s1 =	rddreg [dreg:$0x6];
	p0 =	por !p0, !p0  }
0xfb: {  	s1 =	smov.u32 @p0 s0;
	s0 =	rddreg [dreg:$0xd]  }
0xfc: {  	s5 =	smov.u32 @p0 s4;
	s4 =	rddreg [dreg:$0xc]  }
0xfd: {  	[tilespmem:s15], [sflag:$0x1] =	stream.linear.gather [hbm4b:s1+s3], $0x8000, $0x38;
	[tilespmem:$0x10080] =	vst v63  }
0xfe: {  	s1 =	rddreg [dreg:$0x15]  }
0xff: {  	[tilespmem:s12], [sflag:$0x2] =	stream.linear.gather [hbm4b:s5+s3], $0x8000, $0x38;
	[tilespmem:$0x10080] =	vst v63  }
0x100: {  	s5 =	rddreg [dreg:$0x14];
	_ =	swait.ge [sflag:s18], $0x8000  }
0x101: {  	s21 =	smov.u32 @p0 s20;
	[sflag:s18] =	ssyncset.done $0x0  }
0x102: {  	s20 =	sadd.s32 s2, s21;
	[sflag:s18] =	ssyncadd.s32 $0xFFFF8000  }
0x103: {  	[hbm4b:s20+s3] =	stream.linear.scatter [tilespmem:s15], [sflag:$0x3], $0x8000, $0x38;
	[tilespmem:$0x10080] =	vst v63  }
0x104: {  	_ =	swait.ge [sflag:s9], $0x8000  }
0x105: {  	[sflag:s9] =	ssyncset.done $0x0  }
0x106: {  	s19 =	smov.u32 @p0 s16;
	[sflag:s9] =	ssyncadd.s32 $0xFFFF8000  }
0x107: {  	[tilespmem:s15], [sflag:$0x1] =	stream.linear.gather [hbm4b:s19+s3], $0x8000, $0x38;
	[tilespmem:$0x10080] =	vst v63  }
0x108: {  	_ =	swait.ge [sflag:s17], $0x8000  }
0x109: {  	s30 =	smov.u32 @p0 s29;
	[sflag:s17] =	ssyncset.done $0x0  }
0x10a: {  	s30 =	sadd.s32 s2, s30;
	[sflag:s17] =	ssyncadd.s32 $0xFFFF8000  }
0x10b: {  	[hbm4b:s30+s3] =	stream.linear.scatter [tilespmem:s12], [sflag:$0x4], $0x8000, $0x38;
	[tilespmem:$0x10080] =	vst v63  }
0x10c: {  	_ =	swait.ge [sflag:s13], $0x8000  }
0x10d: {  	[sflag:s13] =	ssyncset.done $0x0  }
0x10e: {  	s14 =	smov.u32 @p0 s11;
	[sflag:s13] =	ssyncadd.s32 $0xFFFF8000  }
0x10f: {  	[tilespmem:s12], [sflag:$0x2] =	stream.linear.gather [hbm4b:s14+s3], $0x8000, $0x38;
	[tilespmem:$0x10080] =	vst v63  }
0x110: {  	_ =	swait.ge [sflag:s18], $0x8000  }
0x111: {  	s11 =	rddreg [dreg:$0x1a]  }
0x112: {  	[sflag:s18] =	ssyncset.done $0x0;
	s31 =	smov.u32 @p0 s11  }
0x113: {  	[sflag:s18] =	ssyncadd.s32 $0xFFFF8000;
	s11 =	sadd.s32 s2, s31  }
0x114: {  	[hbm4b:s11+s3] =	stream.linear.scatter [tilespmem:s15], [sflag:$0x3], $0x8000, $0x38;
	[tilespmem:$0x10080] =	vst v63  }
0x115: {  	_ =	swait.ge [sflag:s9], $0x8000  }
0x116: {  	[sflag:s9] =	ssyncset.done $0x0  }
0x117: {  	s10 =	smov.u32 @p0 s8;
	[sflag:s9] =	ssyncadd.s32 $0xFFFF8000  }
0x118: {  	[tilespmem:s15], [sflag:$0x1] =	stream.linear.gather [hbm4b:s10+s3], $0x8000, $0x38;
	[tilespmem:$0x10080] =	vst v63  }
0x119: {  	_ =	swait.ge [sflag:s17], $0x8000  }
0x11a: {  	s8 =	sld [smem:$0x7FD];
	_ =	sdelay $0x2  }
0x11b: {  	[sflag:s17] =	ssyncset.done $0x0;
	s25 =	smov.u32 @p0 s8  }
0x11c: {  	[sflag:s17] =	ssyncadd.s32 $0xFFFF8000;
	s8 =	sadd.s32 s2, s25  }
0x11d: {  	[hbm4b:s8+s3] =	stream.linear.scatter [tilespmem:s12], [sflag:$0x4], $0x8000, $0x38;
	[tilespmem:$0x10080] =	vst v63  }
0x11e: {  	_ =	swait.ge [sflag:s13], $0x8000  }
0x11f: {  	[sflag:s13] =	ssyncset.done $0x0  }
0x120: {  	s7 =	smov.u32 @p0 s6;
	[sflag:s13] =	ssyncadd.s32 $0xFFFF8000  }
0x121: {  	[tilespmem:s12], [sflag:$0x2] =	stream.linear.gather [hbm4b:s7+s3], $0x8000, $0x38;
	[tilespmem:$0x10080] =	vst v63  }
0x122: {  	_ =	swait.ge [sflag:s18], $0x8000  }
0x123: {  	s6 =	rddreg [dreg:$0x17]  }
0x124: {  	[sflag:s18] =	ssyncset.done $0x0;
	s26 =	smov.u32 @p0 s6  }
0x125: {  	[sflag:s18] =	ssyncadd.s32 $0xFFFF8000;
	s6 =	sadd.s32 s2, s26  }
0x126: {  	[hbm4b:s6+s3] =	stream.linear.scatter [tilespmem:s15], [sflag:$0x3], $0x8000, $0x38;
	[tilespmem:$0x10080] =	vst v63  }
0x127: {  	_ =	swait.ge [sflag:s9], $0x8000  }
0x128: {  	[sflag:s9] =	ssyncset.done $0x0  }
0x129: {  	s4 =	smov.u32 @p0 s5;
	[sflag:s9] =	ssyncadd.s32 $0xFFFF8000  }
0x12a: {  	[tilespmem:s15], [sflag:$0x1] =	stream.linear.gather [hbm4b:s4+s3], $0x8000, $0x38;
	[tilespmem:$0x10080] =	vst v63  }
0x12b: {  	_ =	swait.ge [sflag:s17], $0x8000  }
0x12c: {  	s4 =	sld [smem:$0x7FC];
	_ =	sdelay $0x2  }
0x12d: {  	[sflag:s17] =	ssyncset.done $0x0;
	s24 =	smov.u32 @p0 s4  }
0x12e: {  	[sflag:s17] =	ssyncadd.s32 $0xFFFF8000;
	s4 =	sadd.s32 s2, s24  }
0x12f: {  	[hbm4b:s4+s3] =	stream.linear.scatter [tilespmem:s12], [sflag:$0x4], $0x8000, $0x38;
	[tilespmem:$0x10080] =	vst v63  }
0x130: {  	_ =	swait.ge [sflag:s13], $0x8000  }
0x131: {  	[sflag:s13] =	ssyncset.done $0x0  }
0x132: {  	s0 =	smov.u32 @p0 s1;
	[sflag:s13] =	ssyncadd.s32 $0xFFFF8000  }
0x133: {  	[tilespmem:s12], [sflag:$0x2] =	stream.linear.gather [hbm4b:s0+s3], $0x8000, $0x38;
	[tilespmem:$0x10080] =	vst v63  }
0x134: {  	_ =	swait.ge [sflag:s18], $0x8000  }
0x135: {  	s0 =	rddreg [dreg:$0x16]  }
0x136: {  	[sflag:s18] =	ssyncset.done $0x0;
	s23 =	smov.u32 @p0 s0  }
0x137: {  	[sflag:s18] =	ssyncadd.s32 $0xFFFF8000;
	s0 =	sadd.s32 s2, s23  }
0x138: {  	[hbm4b:s0+s3] =	stream.linear.scatter [tilespmem:s15], [sflag:$0x3], $0x8000, $0x38;
	[tilespmem:$0x10080] =	vst v63  }
0x139: {  	_ =	swait.ge [sflag:s17], $0x8000  }
0x13a: {  	s21 =	rddreg [dreg:$0x19]  }
0x13b: {  	s0 =	rddreg [dreg:$0x18]  }
0x13c: {  	[sflag:s17] =	ssyncset.done $0x0;
	s21 =	smov.u32 @p0 s0  }
0x13d: {  	[sflag:s17] =	ssyncadd.s32 $0xFFFF8000;
	s0 =	sadd.s32 s2, s21  }
0x13e: {  	[hbm4b:s0+s3] =	stream.linear.scatter [tilespmem:s12], [sflag:$0x4], $0x8000, $0x38;
	[tilespmem:$0x10080] =	vst v63  }
0x13f: {  	_ =	swait.ge [sflag:s13], $0x8000  }
0x140: {  	[sflag:s13] =	ssyncset.done $0x0  }
0x141: {  	[sflag:s13] =	ssyncadd.s32 $0xFFFF8000  }
0x142: {  	_ =	swait.ge [sflag:s9], $0x8000  }
0x143: {  	[sflag:s9] =	ssyncset.done $0x0  }
0x144: {  	[sflag:s9] =	ssyncadd.s32 $0xFFFF8000  }
0x145: {  	_ =	sfence.sel $0x180000  }
0x146: {  	[bflag:$0x0] =	sbarrier.arrive $0xFFFF  }
0x147: {  	p0 =	sne.s32 s28, $0x0;
	_ =	strace $0x90000047  }
0x148: {  	s0 =	sadd.s32 @!p0 $0x100000, s22;
	[bflag:$0x2] =	sbarrier.arrive $0xFFFF  }
0x149: {  	[sflag:s0] =	ssyncadd.tile.s32 @!p0 $0x1;
	_ =	shalt  }
.LBB2_1:
.Ltmp3:
0x14a: {  	s29 =	rddreg [dreg:$0x1d];
	(pc) =	sbr.rel .LBB2_6-.Ltmp3, $4  }
0x14b: {  	s21 =	smov.u32 s20;
	s20 =	rddreg [dreg:$0x1b]  }
0x14c: {  	s30 =	rddreg [dreg:$0x1c]  }
0x14d: {  	s31 =	smov.u32 s24;
	s25 =	smov.u32 s16;
	s26 =	smov.u32 s22  }
0x14e: {  	s24 =	smov.u32 s14;
	s23 =	smov.u32 s19;
	s22 =	smov.u32 s8  }
.LBB2_7:
0x14f: {  	s29 =	rddreg [dreg:$0x1d]  }
0x150: {  	s20 =	rddreg [dreg:$0x1b]  }
0x151: {  	s30 =	rddreg [dreg:$0x1c]  }
.Ltmp4:
0x152: {  	s25 =	sld [smem:$0x7FB];
	(pc) =	sbr.rel .LBB2_6-.Ltmp4, $4  }
0x153: {  	s26 =	sld [smem:$0x7FA]  }
0x154: {  	s31 =	smov.u32 s24;
	s24 =	rddreg [dreg:$0x1f]  }
0x155: {  	s23 =	rddreg [dreg:$0x1e]  }
0x156: {  	s22 =	rddreg [dreg:$0x4];
	s28 =	stileid.u32;
	s4 =	simm.s32 $0x5  }
.Lfunc_end2:
_tile_overlayer_lowered:
.L_overlay_start_2:
0x157: {  	(tag) =	ssettag $0x2  }
0x158: {  	s0 =	rddreg [dreg:$0x0];
	s2 =	stileid.u32  }
0x159: {  	s1 =	rddreg [dreg:$0x1];
	p0 =	sne.s32 s2, $0x0  }
0x15a: {  	s3 =	rddreg [dreg:$0x2];
	[bflag:$0x3] =	sbarrier.arrive $0xFFFF;
	s2 =	simm.s32 @!p0 $0x1C05  }
0x15b: {  	[timem:s3], [sflag:s2] =	dma.local @!p0 [hbm:s0], s1  }
0x15c: {  	s0 =	simm.s32 @!p0 $0x5  }
0x15d: {  	_ =	swait.ge @!p0 [sflag:s0], s1  }
0x15e: {  	s1 =	ssub.s32 @!p0 $0x0, s1;
	[sflag:s0] =	ssyncset.done @!p0 $0x0  }
0x15f: {  	[sflag:s0] =	ssyncadd.s32 @!p0 s1  }
0x160: {  	[bflag:$0x3] =	sbarrier.arrive $0xFFFF  }
0x161: {  	_ =	shalt  }

</sc_bundles>
